<compile_context>
chip_gen: v7x
topology: tpu7x:2x2x1
jax: 0.10.2.dev20260603
libtpu: 0.0.44.dev20260713+nightly
codegen_flags: <defaults>
</compile_context>

<pallas_src>
import functools

import jax
import jax.numpy as jnp
from jax import lax
from jax.experimental import pallas as pl
from jax.experimental.pallas import tpu as pltpu
from jax.experimental.pallas import tpu_sc as plsc

B, S, NCAT, V, ED, CD, DM = 4096, 50, 26, 100000, 32, 16, 128
T = B * S
N = T * NCAT
T4 = T // 4
RPT = 128
NW = 32
BLOCKS = N // RPT
BPC = T // RPT
BPW = BLOCKS // NW
K = 13
OUTER = BPW // K


def _sc_gather(tables_sub, idx_flat):
    mesh = plsc.VectorSubcoreMesh(core_axis_name="c", subcore_axis_name="s")

    @functools.partial(
        pl.kernel,
        out_type=jax.ShapeDtypeStruct((N, ED), jnp.float32),
        mesh=mesh,
        scratch_types=[
            pltpu.VMEM((K * RPT,), jnp.int32),
            pltpu.VMEM((K * RPT, ED), jnp.float32),
            pltpu.SemaphoreType.DMA,
        ],
        compiler_params=pltpu.CompilerParams(use_tc_tiling_on_sc=False),
    )
    def gather_kernel(tbl_hbm, idx_hbm, out_hbm, idx_v, rows_v, sem):
        wid = lax.axis_index("s") * 2 + lax.axis_index("c")
        wbase = wid * BPW

        def body(g, carry):
            blk0 = wbase + g * K
            pltpu.sync_copy(
                idx_hbm.at[pl.ds(blk0 * RPT, K * RPT)], idx_v)
            copies = []
            for j in range(K):
                copies.append(
                    pltpu.async_copy(
                        tbl_hbm.at[idx_v.at[pl.ds(j * RPT, RPT)]],
                        rows_v.at[pl.ds(j * RPT, RPT)],
                        sem,
                    )
                )
            for c in copies:
                c.wait()
            pltpu.sync_copy(rows_v, out_hbm.at[pl.ds(blk0 * RPT, K * RPT)])
            return carry

        lax.fori_loop(0, OUTER, body, 0)

    return gather_kernel(tables_sub, idx_flat)


def _proj_body(x_ref, wx_ref, n_ref, m_ref, wn_ref, b_ref, o_ref):
    nm = (n_ref[...] * m_ref[...]).astype(jnp.bfloat16)
    acc = jnp.dot(nm, wn_ref[...], preferred_element_type=jnp.float32)
    for c in range(NCAT):
        acc += jnp.dot(x_ref[c].astype(jnp.bfloat16), wx_ref[c],
                       preferred_element_type=jnp.float32)
    o_ref[...] = acc + b_ref[...]


def _tc_project(x26, wx, num4, mask4, wn4, b4):
    BT4 = 512
    return pl.pallas_call(
        _proj_body,
        grid=(T4 // BT4,),
        in_specs=[
            pl.BlockSpec((NCAT, BT4, 128), lambda i: (0, i, 0)),
            pl.BlockSpec((NCAT, 128, 512), lambda i: (0, 0, 0)),
            pl.BlockSpec((BT4, 4 * CD), lambda i: (i, 0)),
            pl.BlockSpec((BT4, 4 * CD), lambda i: (i, 0)),
            pl.BlockSpec((4 * CD, 512), lambda i: (0, 0)),
            pl.BlockSpec((1, 512), lambda i: (0, 0)),
        ],
        out_specs=pl.BlockSpec((BT4, 512), lambda i: (i, 0)),
        out_shape=jax.ShapeDtypeStruct((T4, 512), jnp.float32),
    )(x26, wx, num4, mask4, wn4, b4)


def kernel(cat_inputs, cat_mask, num_inputs, num_mask, tables, W, b):
    offs = (jnp.arange(NCAT, dtype=jnp.int32) * (4 * V))[:, None]
    idx_cm = cat_inputs.transpose(2, 0, 1).reshape(NCAT, T) * 4 + offs

    tables_pad = jnp.pad(tables, ((0, 0), (0, 0), (0, 3 * ED)))
    tables_sub = tables_pad.reshape(NCAT * V * 4, ED)

    rows = _sc_gather(tables_sub, idx_cm.reshape(N))
    x26 = rows.reshape(NCAT, T4, 128)

    eye4 = jnp.eye(4, dtype=jnp.float32)
    Wc = W[: NCAT * ED].reshape(NCAT, ED, DM)
    wx = (eye4[None, :, None, :, None] * Wc[:, None, :, None, :])
    wx = wx.reshape(NCAT, 4 * ED, 4 * DM).astype(jnp.bfloat16)
    Wn = W[NCAT * ED:]
    wn4 = (eye4[:, None, :, None] * Wn[None, :, None, :])
    wn4 = wn4.reshape(4 * CD, 4 * DM).astype(jnp.bfloat16)
    b4 = jnp.tile(b.reshape(1, DM), (1, 4))

    num4 = num_inputs.reshape(T4, 4 * CD)
    mask4 = num_mask.reshape(T4, 4 * CD)

    out4 = _tc_project(x26, wx, num4, mask4, wn4, b4)
    return out4.reshape(B, S, DM)

# --- scband reference (transcript-rebuilt; emitter-appended) ---
"""Pipeline reference for scband-row-embedding-35708358099483 (READ-ONLY COPY).

The authoritative reference and input builder live on the scoring server;
editing this copy changes nothing except your own understanding.
"""

import jax, jax.numpy as jnp
import numpy as np

B, S, NCAT, V, ED, CD, DM = 4096, 50, 26, 100000, 32, 16, 128


def setup_inputs(seed: int = 0) -> dict:
    key = jax.random.key(seed)
    k1, k2, k3, k4, k5 = jax.random.split(key, 5)
    cat_inputs = jax.random.randint(k1, (B, S, NCAT), 0, V, dtype=jnp.int32)
    cat_mask = jnp.ones((B, S, NCAT), dtype=jnp.float32)
    num_inputs = jax.random.normal(k2, (B, S, CD), dtype=jnp.float32)
    num_mask = jnp.ones((B, S, CD), dtype=jnp.float32)
    tables = jax.random.normal(k3, (NCAT, V, ED), dtype=jnp.float32) * 0.02
    W = jax.random.normal(k4, (NCAT * ED + CD, DM), dtype=jnp.float32) * 0.02
    b = jnp.zeros((DM,), dtype=jnp.float32)
    return {"cat_inputs": cat_inputs, "cat_mask": cat_mask, "num_inputs": num_inputs, "num_mask": num_mask, "tables": tables, "W": W, "b": b}


def reference(cat_inputs, cat_mask, num_inputs, num_mask, tables, W, b):
    # per-column embedding lookup (gather), then concat along feature dim
    cat_embeddings = []
    for i in range(NCAT):
        emb = jnp.take(tables[i], cat_inputs[:, :, i], axis=0)  # [B, S, ED]
        cat_embeddings.append(emb)
    cat_repr = jnp.concatenate(cat_embeddings, axis=-1)  # [B, S, NCAT*ED]
    num_repr = num_inputs * num_mask  # [B, S, CD]
    combined = jnp.concatenate([cat_repr, num_repr], axis=-1)  # [B, S, NCAT*ED+CD]
    return combined @ W + b  # [B, S, DM]

if __name__ == "__main__":
    import jax
    _d = setup_inputs()
    print(jax.jit(kernel)(*tuple(_d.values())))

</pallas_src>

<mosaic_0001>
#map = affine_map<(d0, d1) -> (0, 0)>
#map1 = affine_map<(d0, d1) -> (0)>
module attributes {stable_mosaic.version = 14 : i64} {
  func.func @gather_kernel(%arg0: i32, %arg1: i32, %arg2: memref<10400000x32xf32, #tpu.memory_space<hbm>>, %arg3: memref<5324800xi32, #tpu.memory_space<hbm>>, %arg4: memref<5324800x32xf32, #tpu.memory_space<hbm>>, %arg5: memref<1664xi32, #tpu.memory_space<vmem>>, %arg6: memref<1664x32xf32, #tpu.memory_space<vmem>>, %arg7: memref<!tpu.dma_semaphore, #tpu.memory_space<semaphore_mem>>) attributes {dimension_semantics = [#tpu.dimension_semantics<core_parallel>, #tpu.dimension_semantics<subcore_parallel>], iteration_bounds = array<i64: 2, 16>, scalar_prefetch = 0 : i64, scratch_operands = 3 : i64, tpu.core_type = #tpu.core_type<sc_vector_subcore>, window_params = [{transform_indices = #map}, {transform_indices = #map1}, {transform_indices = #map}]} {
    %mul3A = arith.constant 2 : i32
    %mul3A_0 = arith.muli %arg1, %mul3A : i32
    %add3A = arith.addi %mul3A_0, %arg0 : i32
    %mul3A_1 = arith.constant 1300 : i32
    %mul3A_2 = arith.muli %add3A, %mul3A_1 : i32
    %scan3A = arith.constant 0 : i32
    %scan3A_3 = arith.constant 0 : i32
    %scan3A_4 = arith.constant 100 : i32
    %scan3A_5 = arith.addi %scan3A_3, %scan3A_4 : i32
    %scan3A_6 = arith.constant 1 : i32
    scf.for %scan3A_8 = %scan3A_3 to %scan3A_5 step %scan3A_6  : i32 {
      %mul3A_9 = arith.constant 13 : i32
      %mul3A_10 = arith.muli %scan3A_8, %mul3A_9 : i32
      %add3A_11 = arith.addi %mul3A_2, %mul3A_10 : i32
      %mul3A_12 = arith.constant 128 : i32
      %mul3A_13 = arith.muli %add3A_11, %mul3A_12 : i32
      "tpu.region"() ({
        %run_scoped3A = tpu.sem_alloc : memref<!tpu.dma_semaphore, #tpu.memory_space<semaphore_mem>>
        %dma_start3A_222 = tpu.memref_slice %arg3[%mul3A_13] : memref<5324800xi32, #tpu.memory_space<hbm>> -> memref<1664xi32, #tpu.memory_space<hbm>>
        %dma_start3A_223 = tpu.memref_slice %arg3[%mul3A_13] : memref<5324800xi32, #tpu.memory_space<hbm>> -> memref<1664xi32, #tpu.memory_space<hbm>>
        tpu.enqueue_dma source(%dma_start3A_223 : memref<1664xi32, #tpu.memory_space<hbm>>) target(%arg5 : memref<1664xi32, #tpu.memory_space<vmem>>) target_semaphore(%run_scoped3A : memref<!tpu.dma_semaphore, #tpu.memory_space<semaphore_mem>>)
        %dma_wait3A_224 = tpu.memref_slice %arg3[%mul3A_13] : memref<5324800xi32, #tpu.memory_space<hbm>> -> memref<1664xi32, #tpu.memory_space<hbm>>
        %dma_wait3A_225 = tpu.memref_slice %arg3[%mul3A_13] : memref<5324800xi32, #tpu.memory_space<hbm>> -> memref<1664xi32, #tpu.memory_space<hbm>>
        tpu.wait_dma2 semaphore(%run_scoped3A : memref<!tpu.dma_semaphore, #tpu.memory_space<semaphore_mem>>) src(%dma_wait3A_225 : memref<1664xi32, #tpu.memory_space<hbm>>) dst(%arg5 : memref<1664xi32, #tpu.memory_space<vmem>>)
        tpu.yield
      }) : () -> ()
      %dma_start3A = arith.constant 0 : i32
      %dma_start3A_14 = arith.constant 0 : i32
      %dma_start3A_15 = tpu.memref_slice %arg6[%dma_start3A, %dma_start3A_14] : memref<1664x32xf32, #tpu.memory_space<vmem>> -> memref<128x32xf32, #tpu.memory_space<vmem>>
      %dma_start3A_16 = arith.constant 0 : i32
      %dma_start3A_17 = tpu.memref_slice %arg5[%dma_start3A_16] : memref<1664xi32, #tpu.memory_space<vmem>> -> memref<128xi32, #tpu.memory_space<vmem>>
      %dma_start3A_18 = arith.constant 0 : i32
      %dma_start3A_19 = arith.constant 0 : i32
      %dma_start3A_20 = tpu.memref_slice %arg2[%dma_start3A_18, %dma_start3A_19] : memref<10400000x32xf32, #tpu.memory_space<hbm>> -> memref<10400000x32xf32, #tpu.memory_space<hbm>>
      tpu.enqueue_indirect_dma source(%dma_start3A_20 : memref<10400000x32xf32, #tpu.memory_space<hbm>>) target(%dma_start3A_15 : memref<128x32xf32, #tpu.memory_space<vmem>>) offsets(%dma_start3A_17 : memref<128xi32, #tpu.memory_space<vmem>>) semaphore(%arg7 : memref<!tpu.dma_semaphore, #tpu.memory_space<semaphore_mem>>)
      %dma_start3A_21 = arith.constant 128 : i32
      %dma_start3A_22 = arith.constant 0 : i32
      %dma_start3A_23 = tpu.memref_slice %arg6[%dma_start3A_21, %dma_start3A_22] : memref<1664x32xf32, #tpu.memory_space<vmem>> -> memref<128x32xf32, #tpu.memory_space<vmem>>
      %dma_start3A_24 = arith.constant 128 : i32
      %dma_start3A_25 = tpu.memref_slice %arg5[%dma_start3A_24] : memref<1664xi32, #tpu.memory_space<vmem>> -> memref<128xi32, #tpu.memory_space<vmem>>
      %dma_start3A_26 = arith.constant 0 : i32
      %dma_start3A_27 = arith.constant 0 : i32
      %dma_start3A_28 = tpu.memref_slice %arg2[%dma_start3A_26, %dma_start3A_27] : memref<10400000x32xf32, #tpu.memory_space<hbm>> -> memref<10400000x32xf32, #tpu.memory_space<hbm>>
      tpu.enqueue_indirect_dma source(%dma_start3A_28 : memref<10400000x32xf32, #tpu.memory_space<hbm>>) target(%dma_start3A_23 : memref<128x32xf32, #tpu.memory_space<vmem>>) offsets(%dma_start3A_25 : memref<128xi32, #tpu.memory_space<vmem>>) semaphore(%arg7 : memref<!tpu.dma_semaphore, #tpu.memory_space<semaphore_mem>>)
      %dma_start3A_29 = arith.constant 256 : i32
      %dma_start3A_30 = arith.constant 0 : i32
      %dma_start3A_31 = tpu.memref_slice %arg6[%dma_start3A_29, %dma_start3A_30] : memref<1664x32xf32, #tpu.memory_space<vmem>> -> memref<128x32xf32, #tpu.memory_space<vmem>>
      %dma_start3A_32 = arith.constant 256 : i32
      %dma_start3A_33 = tpu.memref_slice %arg5[%dma_start3A_32] : memref<1664xi32, #tpu.memory_space<vmem>> -> memref<128xi32, #tpu.memory_space<vmem>>
      %dma_start3A_34 = arith.constant 0 : i32
      %dma_start3A_35 = arith.constant 0 : i32
      %dma_start3A_36 = tpu.memref_slice %arg2[%dma_start3A_34, %dma_start3A_35] : memref<10400000x32xf32, #tpu.memory_space<hbm>> -> memref<10400000x32xf32, #tpu.memory_space<hbm>>
      tpu.enqueue_indirect_dma source(%dma_start3A_36 : memref<10400000x32xf32, #tpu.memory_space<hbm>>) target(%dma_start3A_31 : memref<128x32xf32, #tpu.memory_space<vmem>>) offsets(%dma_start3A_33 : memref<128xi32, #tpu.memory_space<vmem>>) semaphore(%arg7 : memref<!tpu.dma_semaphore, #tpu.memory_space<semaphore_mem>>)
      %dma_start3A_37 = arith.constant 384 : i32
      %dma_start3A_38 = arith.constant 0 : i32
      %dma_start3A_39 = tpu.memref_slice %arg6[%dma_start3A_37, %dma_start3A_38] : memref<1664x32xf32, #tpu.memory_space<vmem>> -> memref<128x32xf32, #tpu.memory_space<vmem>>
      %dma_start3A_40 = arith.constant 384 : i32
      %dma_start3A_41 = tpu.memref_slice %arg5[%dma_start3A_40] : memref<1664xi32, #tpu.memory_space<vmem>> -> memref<128xi32, #tpu.memory_space<vmem>>
      %dma_start3A_42 = arith.constant 0 : i32
      %dma_start3A_43 = arith.constant 0 : i32
      %dma_start3A_44 = tpu.memref_slice %arg2[%dma_start3A_42, %dma_start3A_43] : memref<10400000x32xf32, #tpu.memory_space<hbm>> -> memref<10400000x32xf32, #tpu.memory_space<hbm>>
      tpu.enqueue_indirect_dma source(%dma_start3A_44 : memref<10400000x32xf32, #tpu.memory_space<hbm>>) target(%dma_start3A_39 : memref<128x32xf32, #tpu.memory_space<vmem>>) offsets(%dma_start3A_41 : memref<128xi32, #tpu.memory_space<vmem>>) semaphore(%arg7 : memref<!tpu.dma_semaphore, #tpu.memory_space<semaphore_mem>>)
      %dma_start3A_45 = arith.constant 512 : i32
      %dma_start3A_46 = arith.constant 0 : i32
      %dma_start3A_47 = tpu.memref_slice %arg6[%dma_start3A_45, %dma_start3A_46] : memref<1664x32xf32, #tpu.memory_space<vmem>> -> memref<128x32xf32, #tpu.memory_space<vmem>>
      %dma_start3A_48 = arith.constant 512 : i32
      %dma_start3A_49 = tpu.memref_slice %arg5[%dma_start3A_48] : memref<1664xi32, #tpu.memory_space<vmem>> -> memref<128xi32, #tpu.memory_space<vmem>>
      %dma_start3A_50 = arith.constant 0 : i32
      %dma_start3A_51 = arith.constant 0 : i32
      %dma_start3A_52 = tpu.memref_slice %arg2[%dma_start3A_50, %dma_start3A_51] : memref<10400000x32xf32, #tpu.memory_space<hbm>> -> memref<10400000x32xf32, #tpu.memory_space<hbm>>
      tpu.enqueue_indirect_dma source(%dma_start3A_52 : memref<10400000x32xf32, #tpu.memory_space<hbm>>) target(%dma_start3A_47 : memref<128x32xf32, #tpu.memory_space<vmem>>) offsets(%dma_start3A_49 : memref<128xi32, #tpu.memory_space<vmem>>) semaphore(%arg7 : memref<!tpu.dma_semaphore, #tpu.memory_space<semaphore_mem>>)
      %dma_start3A_53 = arith.constant 640 : i32
      %dma_start3A_54 = arith.constant 0 : i32
      %dma_start3A_55 = tpu.memref_slice %arg6[%dma_start3A_53, %dma_start3A_54] : memref<1664x32xf32, #tpu.memory_space<vmem>> -> memref<128x32xf32, #tpu.memory_space<vmem>>
      %dma_start3A_56 = arith.constant 640 : i32
      %dma_start3A_57 = tpu.memref_slice %arg5[%dma_start3A_56] : memref<1664xi32, #tpu.memory_space<vmem>> -> memref<128xi32, #tpu.memory_space<vmem>>
      %dma_start3A_58 = arith.constant 0 : i32
      %dma_start3A_59 = arith.constant 0 : i32
      %dma_start3A_60 = tpu.memref_slice %arg2[%dma_start3A_58, %dma_start3A_59] : memref<10400000x32xf32, #tpu.memory_space<hbm>> -> memref<10400000x32xf32, #tpu.memory_space<hbm>>
      tpu.enqueue_indirect_dma source(%dma_start3A_60 : memref<10400000x32xf32, #tpu.memory_space<hbm>>) target(%dma_start3A_55 : memref<128x32xf32, #tpu.memory_space<vmem>>) offsets(%dma_start3A_57 : memref<128xi32, #tpu.memory_space<vmem>>) semaphore(%arg7 : memref<!tpu.dma_semaphore, #tpu.memory_space<semaphore_mem>>)
      %dma_start3A_61 = arith.constant 768 : i32
      %dma_start3A_62 = arith.constant 0 : i32
      %dma_start3A_63 = tpu.memref_slice %arg6[%dma_start3A_61, %dma_start3A_62] : memref<1664x32xf32, #tpu.memory_space<vmem>> -> memref<128x32xf32, #tpu.memory_space<vmem>>
      %dma_start3A_64 = arith.constant 768 : i32
      %dma_start3A_65 = tpu.memref_slice %arg5[%dma_start3A_64] : memref<1664xi32, #tpu.memory_space<vmem>> -> memref<128xi32, #tpu.memory_space<vmem>>
      %dma_start3A_66 = arith.constant 0 : i32
      %dma_start3A_67 = arith.constant 0 : i32
      %dma_start3A_68 = tpu.memref_slice %arg2[%dma_start3A_66, %dma_start3A_67] : memref<10400000x32xf32, #tpu.memory_space<hbm>> -> memref<10400000x32xf32, #tpu.memory_space<hbm>>
      tpu.enqueue_indirect_dma source(%dma_start3A_68 : memref<10400000x32xf32, #tpu.memory_space<hbm>>) target(%dma_start3A_63 : memref<128x32xf32, #tpu.memory_space<vmem>>) offsets(%dma_start3A_65 : memref<128xi32, #tpu.memory_space<vmem>>) semaphore(%arg7 : memref<!tpu.dma_semaphore, #tpu.memory_space<semaphore_mem>>)
      %dma_start3A_69 = arith.constant 896 : i32
      %dma_start3A_70 = arith.constant 0 : i32
      %dma_start3A_71 = tpu.memref_slice %arg6[%dma_start3A_69, %dma_start3A_70] : memref<1664x32xf32, #tpu.memory_space<vmem>> -> memref<128x32xf32, #tpu.memory_space<vmem>>
      %dma_start3A_72 = arith.constant 896 : i32
      %dma_start3A_73 = tpu.memref_slice %arg5[%dma_start3A_72] : memref<1664xi32, #tpu.memory_space<vmem>> -> memref<128xi32, #tpu.memory_space<vmem>>
      %dma_start3A_74 = arith.constant 0 : i32
      %dma_start3A_75 = arith.constant 0 : i32
      %dma_start3A_76 = tpu.memref_slice %arg2[%dma_start3A_74, %dma_start3A_75] : memref<10400000x32xf32, #tpu.memory_space<hbm>> -> memref<10400000x32xf32, #tpu.memory_space<hbm>>
      tpu.enqueue_indirect_dma source(%dma_start3A_76 : memref<10400000x32xf32, #tpu.memory_space<hbm>>) target(%dma_start3A_71 : memref<128x32xf32, #tpu.memory_space<vmem>>) offsets(%dma_start3A_73 : memref<128xi32, #tpu.memory_space<vmem>>) semaphore(%arg7 : memref<!tpu.dma_semaphore, #tpu.memory_space<semaphore_mem>>)
      %dma_start3A_77 = arith.constant 1024 : i32
      %dma_start3A_78 = arith.constant 0 : i32
      %dma_start3A_79 = tpu.memref_slice %arg6[%dma_start3A_77, %dma_start3A_78] : memref<1664x32xf32, #tpu.memory_space<vmem>> -> memref<128x32xf32, #tpu.memory_space<vmem>>
      %dma_start3A_80 = arith.constant 1024 : i32
      %dma_start3A_81 = tpu.memref_slice %arg5[%dma_start3A_80] : memref<1664xi32, #tpu.memory_space<vmem>> -> memref<128xi32, #tpu.memory_space<vmem>>
      %dma_start3A_82 = arith.constant 0 : i32
      %dma_start3A_83 = arith.constant 0 : i32
      %dma_start3A_84 = tpu.memref_slice %arg2[%dma_start3A_82, %dma_start3A_83] : memref<10400000x32xf32, #tpu.memory_space<hbm>> -> memref<10400000x32xf32, #tpu.memory_space<hbm>>
      tpu.enqueue_indirect_dma source(%dma_start3A_84 : memref<10400000x32xf32, #tpu.memory_space<hbm>>) target(%dma_start3A_79 : memref<128x32xf32, #tpu.memory_space<vmem>>) offsets(%dma_start3A_81 : memref<128xi32, #tpu.memory_space<vmem>>) semaphore(%arg7 : memref<!tpu.dma_semaphore, #tpu.memory_space<semaphore_mem>>)
      %dma_start3A_85 = arith.constant 1152 : i32
      %dma_start3A_86 = arith.constant 0 : i32
      %dma_start3A_87 = tpu.memref_slice %arg6[%dma_start3A_85, %dma_start3A_86] : memref<1664x32xf32, #tpu.memory_space<vmem>> -> memref<128x32xf32, #tpu.memory_space<vmem>>
      %dma_start3A_88 = arith.constant 1152 : i32
      %dma_start3A_89 = tpu.memref_slice %arg5[%dma_start3A_88] : memref<1664xi32, #tpu.memory_space<vmem>> -> memref<128xi32, #tpu.memory_space<vmem>>
      %dma_start3A_90 = arith.constant 0 : i32
      %dma_start3A_91 = arith.constant 0 : i32
      %dma_start3A_92 = tpu.memref_slice %arg2[%dma_start3A_90, %dma_start3A_91] : memref<10400000x32xf32, #tpu.memory_space<hbm>> -> memref<10400000x32xf32, #tpu.memory_space<hbm>>
      tpu.enqueue_indirect_dma source(%dma_start3A_92 : memref<10400000x32xf32, #tpu.memory_space<hbm>>) target(%dma_start3A_87 : memref<128x32xf32, #tpu.memory_space<vmem>>) offsets(%dma_start3A_89 : memref<128xi32, #tpu.memory_space<vmem>>) semaphore(%arg7 : memref<!tpu.dma_semaphore, #tpu.memory_space<semaphore_mem>>)
      %dma_start3A_93 = arith.constant 1280 : i32
      %dma_start3A_94 = arith.constant 0 : i32
      %dma_start3A_95 = tpu.memref_slice %arg6[%dma_start3A_93, %dma_start3A_94] : memref<1664x32xf32, #tpu.memory_space<vmem>> -> memref<128x32xf32, #tpu.memory_space<vmem>>
      %dma_start3A_96 = arith.constant 1280 : i32
      %dma_start3A_97 = tpu.memref_slice %arg5[%dma_start3A_96] : memref<1664xi32, #tpu.memory_space<vmem>> -> memref<128xi32, #tpu.memory_space<vmem>>
      %dma_start3A_98 = arith.constant 0 : i32
      %dma_start3A_99 = arith.constant 0 : i32
      %dma_start3A_100 = tpu.memref_slice %arg2[%dma_start3A_98, %dma_start3A_99] : memref<10400000x32xf32, #tpu.memory_space<hbm>> -> memref<10400000x32xf32, #tpu.memory_space<hbm>>
      tpu.enqueue_indirect_dma source(%dma_start3A_100 : memref<10400000x32xf32, #tpu.memory_space<hbm>>) target(%dma_start3A_95 : memref<128x32xf32, #tpu.memory_space<vmem>>) offsets(%dma_start3A_97 : memref<128xi32, #tpu.memory_space<vmem>>) semaphore(%arg7 : memref<!tpu.dma_semaphore, #tpu.memory_space<semaphore_mem>>)
      %dma_start3A_101 = arith.constant 1408 : i32
      %dma_start3A_102 = arith.constant 0 : i32
      %dma_start3A_103 = tpu.memref_slice %arg6[%dma_start3A_101, %dma_start3A_102] : memref<1664x32xf32, #tpu.memory_space<vmem>> -> memref<128x32xf32, #tpu.memory_space<vmem>>
      %dma_start3A_104 = arith.constant 1408 : i32
      %dma_start3A_105 = tpu.memref_slice %arg5[%dma_start3A_104] : memref<1664xi32, #tpu.memory_space<vmem>> -> memref<128xi32, #tpu.memory_space<vmem>>
      %dma_start3A_106 = arith.constant 0 : i32
      %dma_start3A_107 = arith.constant 0 : i32
      %dma_start3A_108 = tpu.memref_slice %arg2[%dma_start3A_106, %dma_start3A_107] : memref<10400000x32xf32, #tpu.memory_space<hbm>> -> memref<10400000x32xf32, #tpu.memory_space<hbm>>
      tpu.enqueue_indirect_dma source(%dma_start3A_108 : memref<10400000x32xf32, #tpu.memory_space<hbm>>) target(%dma_start3A_103 : memref<128x32xf32, #tpu.memory_space<vmem>>) offsets(%dma_start3A_105 : memref<128xi32, #tpu.memory_space<vmem>>) semaphore(%arg7 : memref<!tpu.dma_semaphore, #tpu.memory_space<semaphore_mem>>)
      %dma_start3A_109 = arith.constant 1536 : i32
      %dma_start3A_110 = arith.constant 0 : i32
      %dma_start3A_111 = tpu.memref_slice %arg6[%dma_start3A_109, %dma_start3A_110] : memref<1664x32xf32, #tpu.memory_space<vmem>> -> memref<128x32xf32, #tpu.memory_space<vmem>>
      %dma_start3A_112 = arith.constant 1536 : i32
      %dma_start3A_113 = tpu.memref_slice %arg5[%dma_start3A_112] : memref<1664xi32, #tpu.memory_space<vmem>> -> memref<128xi32, #tpu.memory_space<vmem>>
      %dma_start3A_114 = arith.constant 0 : i32
      %dma_start3A_115 = arith.constant 0 : i32
      %dma_start3A_116 = tpu.memref_slice %arg2[%dma_start3A_114, %dma_start3A_115] : memref<10400000x32xf32, #tpu.memory_space<hbm>> -> memref<10400000x32xf32, #tpu.memory_space<hbm>>
      tpu.enqueue_indirect_dma source(%dma_start3A_116 : memref<10400000x32xf32, #tpu.memory_space<hbm>>) target(%dma_start3A_111 : memref<128x32xf32, #tpu.memory_space<vmem>>) offsets(%dma_start3A_113 : memref<128xi32, #tpu.memory_space<vmem>>) semaphore(%arg7 : memref<!tpu.dma_semaphore, #tpu.memory_space<semaphore_mem>>)
      %dma_wait3A = arith.constant 0 : i32
      %dma_wait3A_117 = arith.constant 0 : i32
      %dma_wait3A_118 = tpu.memref_slice %arg6[%dma_wait3A, %dma_wait3A_117] : memref<1664x32xf32, #tpu.memory_space<vmem>> -> memref<128x32xf32, #tpu.memory_space<vmem>>
      %dma_wait3A_119 = arith.constant 0 : i32
      %dma_wait3A_120 = tpu.memref_slice %arg5[%dma_wait3A_119] : memref<1664xi32, #tpu.memory_space<vmem>> -> memref<128xi32, #tpu.memory_space<vmem>>
      %dma_wait3A_121 = arith.constant 0 : i32
      %dma_wait3A_122 = arith.constant 0 : i32
      %dma_wait3A_123 = tpu.memref_slice %arg2[%dma_wait3A_121, %dma_wait3A_122] : memref<10400000x32xf32, #tpu.memory_space<hbm>> -> memref<10400000x32xf32, #tpu.memory_space<hbm>>
      tpu.wait_indirect_dma semaphore(%arg7 : memref<!tpu.dma_semaphore, #tpu.memory_space<semaphore_mem>>) src(%dma_wait3A_123 : memref<10400000x32xf32, #tpu.memory_space<hbm>>) dst(%dma_wait3A_118 : memref<128x32xf32, #tpu.memory_space<vmem>>)
      %dma_wait3A_124 = arith.constant 128 : i32
      %dma_wait3A_125 = arith.constant 0 : i32
      %dma_wait3A_126 = tpu.memref_slice %arg6[%dma_wait3A_124, %dma_wait3A_125] : memref<1664x32xf32, #tpu.memory_space<vmem>> -> memref<128x32xf32, #tpu.memory_space<vmem>>
      %dma_wait3A_127 = arith.constant 128 : i32
      %dma_wait3A_128 = tpu.memref_slice %arg5[%dma_wait3A_127] : memref<1664xi32, #tpu.memory_space<vmem>> -> memref<128xi32, #tpu.memory_space<vmem>>
      %dma_wait3A_129 = arith.constant 0 : i32
      %dma_wait3A_130 = arith.constant 0 : i32
      %dma_wait3A_131 = tpu.memref_slice %arg2[%dma_wait3A_129, %dma_wait3A_130] : memref<10400000x32xf32, #tpu.memory_space<hbm>> -> memref<10400000x32xf32, #tpu.memory_space<hbm>>
      tpu.wait_indirect_dma semaphore(%arg7 : memref<!tpu.dma_semaphore, #tpu.memory_space<semaphore_mem>>) src(%dma_wait3A_131 : memref<10400000x32xf32, #tpu.memory_space<hbm>>) dst(%dma_wait3A_126 : memref<128x32xf32, #tpu.memory_space<vmem>>)
      %dma_wait3A_132 = arith.constant 256 : i32
      %dma_wait3A_133 = arith.constant 0 : i32
      %dma_wait3A_134 = tpu.memref_slice %arg6[%dma_wait3A_132, %dma_wait3A_133] : memref<1664x32xf32, #tpu.memory_space<vmem>> -> memref<128x32xf32, #tpu.memory_space<vmem>>
      %dma_wait3A_135 = arith.constant 256 : i32
      %dma_wait3A_136 = tpu.memref_slice %arg5[%dma_wait3A_135] : memref<1664xi32, #tpu.memory_space<vmem>> -> memref<128xi32, #tpu.memory_space<vmem>>
      %dma_wait3A_137 = arith.constant 0 : i32
      %dma_wait3A_138 = arith.constant 0 : i32
      %dma_wait3A_139 = tpu.memref_slice %arg2[%dma_wait3A_137, %dma_wait3A_138] : memref<10400000x32xf32, #tpu.memory_space<hbm>> -> memref<10400000x32xf32, #tpu.memory_space<hbm>>
      tpu.wait_indirect_dma semaphore(%arg7 : memref<!tpu.dma_semaphore, #tpu.memory_space<semaphore_mem>>) src(%dma_wait3A_139 : memref<10400000x32xf32, #tpu.memory_space<hbm>>) dst(%dma_wait3A_134 : memref<128x32xf32, #tpu.memory_space<vmem>>)
      %dma_wait3A_140 = arith.constant 384 : i32
      %dma_wait3A_141 = arith.constant 0 : i32
      %dma_wait3A_142 = tpu.memref_slice %arg6[%dma_wait3A_140, %dma_wait3A_141] : memref<1664x32xf32, #tpu.memory_space<vmem>> -> memref<128x32xf32, #tpu.memory_space<vmem>>
      %dma_wait3A_143 = arith.constant 384 : i32
      %dma_wait3A_144 = tpu.memref_slice %arg5[%dma_wait3A_143] : memref<1664xi32, #tpu.memory_space<vmem>> -> memref<128xi32, #tpu.memory_space<vmem>>
      %dma_wait3A_145 = arith.constant 0 : i32
      %dma_wait3A_146 = arith.constant 0 : i32
      %dma_wait3A_147 = tpu.memref_slice %arg2[%dma_wait3A_145, %dma_wait3A_146] : memref<10400000x32xf32, #tpu.memory_space<hbm>> -> memref<10400000x32xf32, #tpu.memory_space<hbm>>
      tpu.wait_indirect_dma semaphore(%arg7 : memref<!tpu.dma_semaphore, #tpu.memory_space<semaphore_mem>>) src(%dma_wait3A_147 : memref<10400000x32xf32, #tpu.memory_space<hbm>>) dst(%dma_wait3A_142 : memref<128x32xf32, #tpu.memory_space<vmem>>)
      %dma_wait3A_148 = arith.constant 512 : i32
      %dma_wait3A_149 = arith.constant 0 : i32
      %dma_wait3A_150 = tpu.memref_slice %arg6[%dma_wait3A_148, %dma_wait3A_149] : memref<1664x32xf32, #tpu.memory_space<vmem>> -> memref<128x32xf32, #tpu.memory_space<vmem>>
      %dma_wait3A_151 = arith.constant 512 : i32
      %dma_wait3A_152 = tpu.memref_slice %arg5[%dma_wait3A_151] : memref<1664xi32, #tpu.memory_space<vmem>> -> memref<128xi32, #tpu.memory_space<vmem>>
      %dma_wait3A_153 = arith.constant 0 : i32
      %dma_wait3A_154 = arith.constant 0 : i32
      %dma_wait3A_155 = tpu.memref_slice %arg2[%dma_wait3A_153, %dma_wait3A_154] : memref<10400000x32xf32, #tpu.memory_space<hbm>> -> memref<10400000x32xf32, #tpu.memory_space<hbm>>
      tpu.wait_indirect_dma semaphore(%arg7 : memref<!tpu.dma_semaphore, #tpu.memory_space<semaphore_mem>>) src(%dma_wait3A_155 : memref<10400000x32xf32, #tpu.memory_space<hbm>>) dst(%dma_wait3A_150 : memref<128x32xf32, #tpu.memory_space<vmem>>)
      %dma_wait3A_156 = arith.constant 640 : i32
      %dma_wait3A_157 = arith.constant 0 : i32
      %dma_wait3A_158 = tpu.memref_slice %arg6[%dma_wait3A_156, %dma_wait3A_157] : memref<1664x32xf32, #tpu.memory_space<vmem>> -> memref<128x32xf32, #tpu.memory_space<vmem>>
      %dma_wait3A_159 = arith.constant 640 : i32
      %dma_wait3A_160 = tpu.memref_slice %arg5[%dma_wait3A_159] : memref<1664xi32, #tpu.memory_space<vmem>> -> memref<128xi32, #tpu.memory_space<vmem>>
      %dma_wait3A_161 = arith.constant 0 : i32
      %dma_wait3A_162 = arith.constant 0 : i32
      %dma_wait3A_163 = tpu.memref_slice %arg2[%dma_wait3A_161, %dma_wait3A_162] : memref<10400000x32xf32, #tpu.memory_space<hbm>> -> memref<10400000x32xf32, #tpu.memory_space<hbm>>
      tpu.wait_indirect_dma semaphore(%arg7 : memref<!tpu.dma_semaphore, #tpu.memory_space<semaphore_mem>>) src(%dma_wait3A_163 : memref<10400000x32xf32, #tpu.memory_space<hbm>>) dst(%dma_wait3A_158 : memref<128x32xf32, #tpu.memory_space<vmem>>)
      %dma_wait3A_164 = arith.constant 768 : i32
      %dma_wait3A_165 = arith.constant 0 : i32
      %dma_wait3A_166 = tpu.memref_slice %arg6[%dma_wait3A_164, %dma_wait3A_165] : memref<1664x32xf32, #tpu.memory_space<vmem>> -> memref<128x32xf32, #tpu.memory_space<vmem>>
      %dma_wait3A_167 = arith.constant 768 : i32
      %dma_wait3A_168 = tpu.memref_slice %arg5[%dma_wait3A_167] : memref<1664xi32, #tpu.memory_space<vmem>> -> memref<128xi32, #tpu.memory_space<vmem>>
      %dma_wait3A_169 = arith.constant 0 : i32
      %dma_wait3A_170 = arith.constant 0 : i32
      %dma_wait3A_171 = tpu.memref_slice %arg2[%dma_wait3A_169, %dma_wait3A_170] : memref<10400000x32xf32, #tpu.memory_space<hbm>> -> memref<10400000x32xf32, #tpu.memory_space<hbm>>
      tpu.wait_indirect_dma semaphore(%arg7 : memref<!tpu.dma_semaphore, #tpu.memory_space<semaphore_mem>>) src(%dma_wait3A_171 : memref<10400000x32xf32, #tpu.memory_space<hbm>>) dst(%dma_wait3A_166 : memref<128x32xf32, #tpu.memory_space<vmem>>)
      %dma_wait3A_172 = arith.constant 896 : i32
      %dma_wait3A_173 = arith.constant 0 : i32
      %dma_wait3A_174 = tpu.memref_slice %arg6[%dma_wait3A_172, %dma_wait3A_173] : memref<1664x32xf32, #tpu.memory_space<vmem>> -> memref<128x32xf32, #tpu.memory_space<vmem>>
      %dma_wait3A_175 = arith.constant 896 : i32
      %dma_wait3A_176 = tpu.memref_slice %arg5[%dma_wait3A_175] : memref<1664xi32, #tpu.memory_space<vmem>> -> memref<128xi32, #tpu.memory_space<vmem>>
      %dma_wait3A_177 = arith.constant 0 : i32
      %dma_wait3A_178 = arith.constant 0 : i32
      %dma_wait3A_179 = tpu.memref_slice %arg2[%dma_wait3A_177, %dma_wait3A_178] : memref<10400000x32xf32, #tpu.memory_space<hbm>> -> memref<10400000x32xf32, #tpu.memory_space<hbm>>
      tpu.wait_indirect_dma semaphore(%arg7 : memref<!tpu.dma_semaphore, #tpu.memory_space<semaphore_mem>>) src(%dma_wait3A_179 : memref<10400000x32xf32, #tpu.memory_space<hbm>>) dst(%dma_wait3A_174 : memref<128x32xf32, #tpu.memory_space<vmem>>)
      %dma_wait3A_180 = arith.constant 1024 : i32
      %dma_wait3A_181 = arith.constant 0 : i32
      %dma_wait3A_182 = tpu.memref_slice %arg6[%dma_wait3A_180, %dma_wait3A_181] : memref<1664x32xf32, #tpu.memory_space<vmem>> -> memref<128x32xf32, #tpu.memory_space<vmem>>
      %dma_wait3A_183 = arith.constant 1024 : i32
      %dma_wait3A_184 = tpu.memref_slice %arg5[%dma_wait3A_183] : memref<1664xi32, #tpu.memory_space<vmem>> -> memref<128xi32, #tpu.memory_space<vmem>>
      %dma_wait3A_185 = arith.constant 0 : i32
      %dma_wait3A_186 = arith.constant 0 : i32
      %dma_wait3A_187 = tpu.memref_slice %arg2[%dma_wait3A_185, %dma_wait3A_186] : memref<10400000x32xf32, #tpu.memory_space<hbm>> -> memref<10400000x32xf32, #tpu.memory_space<hbm>>
      tpu.wait_indirect_dma semaphore(%arg7 : memref<!tpu.dma_semaphore, #tpu.memory_space<semaphore_mem>>) src(%dma_wait3A_187 : memref<10400000x32xf32, #tpu.memory_space<hbm>>) dst(%dma_wait3A_182 : memref<128x32xf32, #tpu.memory_space<vmem>>)
      %dma_wait3A_188 = arith.constant 1152 : i32
      %dma_wait3A_189 = arith.constant 0 : i32
      %dma_wait3A_190 = tpu.memref_slice %arg6[%dma_wait3A_188, %dma_wait3A_189] : memref<1664x32xf32, #tpu.memory_space<vmem>> -> memref<128x32xf32, #tpu.memory_space<vmem>>
      %dma_wait3A_191 = arith.constant 1152 : i32
      %dma_wait3A_192 = tpu.memref_slice %arg5[%dma_wait3A_191] : memref<1664xi32, #tpu.memory_space<vmem>> -> memref<128xi32, #tpu.memory_space<vmem>>
      %dma_wait3A_193 = arith.constant 0 : i32
      %dma_wait3A_194 = arith.constant 0 : i32
      %dma_wait3A_195 = tpu.memref_slice %arg2[%dma_wait3A_193, %dma_wait3A_194] : memref<10400000x32xf32, #tpu.memory_space<hbm>> -> memref<10400000x32xf32, #tpu.memory_space<hbm>>
      tpu.wait_indirect_dma semaphore(%arg7 : memref<!tpu.dma_semaphore, #tpu.memory_space<semaphore_mem>>) src(%dma_wait3A_195 : memref<10400000x32xf32, #tpu.memory_space<hbm>>) dst(%dma_wait3A_190 : memref<128x32xf32, #tpu.memory_space<vmem>>)
      %dma_wait3A_196 = arith.constant 1280 : i32
      %dma_wait3A_197 = arith.constant 0 : i32
      %dma_wait3A_198 = tpu.memref_slice %arg6[%dma_wait3A_196, %dma_wait3A_197] : memref<1664x32xf32, #tpu.memory_space<vmem>> -> memref<128x32xf32, #tpu.memory_space<vmem>>
      %dma_wait3A_199 = arith.constant 1280 : i32
      %dma_wait3A_200 = tpu.memref_slice %arg5[%dma_wait3A_199] : memref<1664xi32, #tpu.memory_space<vmem>> -> memref<128xi32, #tpu.memory_space<vmem>>
      %dma_wait3A_201 = arith.constant 0 : i32
      %dma_wait3A_202 = arith.constant 0 : i32
      %dma_wait3A_203 = tpu.memref_slice %arg2[%dma_wait3A_201, %dma_wait3A_202] : memref<10400000x32xf32, #tpu.memory_space<hbm>> -> memref<10400000x32xf32, #tpu.memory_space<hbm>>
      tpu.wait_indirect_dma semaphore(%arg7 : memref<!tpu.dma_semaphore, #tpu.memory_space<semaphore_mem>>) src(%dma_wait3A_203 : memref<10400000x32xf32, #tpu.memory_space<hbm>>) dst(%dma_wait3A_198 : memref<128x32xf32, #tpu.memory_space<vmem>>)
      %dma_wait3A_204 = arith.constant 1408 : i32
      %dma_wait3A_205 = arith.constant 0 : i32
      %dma_wait3A_206 = tpu.memref_slice %arg6[%dma_wait3A_204, %dma_wait3A_205] : memref<1664x32xf32, #tpu.memory_space<vmem>> -> memref<128x32xf32, #tpu.memory_space<vmem>>
      %dma_wait3A_207 = arith.constant 1408 : i32
      %dma_wait3A_208 = tpu.memref_slice %arg5[%dma_wait3A_207] : memref<1664xi32, #tpu.memory_space<vmem>> -> memref<128xi32, #tpu.memory_space<vmem>>
      %dma_wait3A_209 = arith.constant 0 : i32
      %dma_wait3A_210 = arith.constant 0 : i32
      %dma_wait3A_211 = tpu.memref_slice %arg2[%dma_wait3A_209, %dma_wait3A_210] : memref<10400000x32xf32, #tpu.memory_space<hbm>> -> memref<10400000x32xf32, #tpu.memory_space<hbm>>
      tpu.wait_indirect_dma semaphore(%arg7 : memref<!tpu.dma_semaphore, #tpu.memory_space<semaphore_mem>>) src(%dma_wait3A_211 : memref<10400000x32xf32, #tpu.memory_space<hbm>>) dst(%dma_wait3A_206 : memref<128x32xf32, #tpu.memory_space<vmem>>)
      %dma_wait3A_212 = arith.constant 1536 : i32
      %dma_wait3A_213 = arith.constant 0 : i32
      %dma_wait3A_214 = tpu.memref_slice %arg6[%dma_wait3A_212, %dma_wait3A_213] : memref<1664x32xf32, #tpu.memory_space<vmem>> -> memref<128x32xf32, #tpu.memory_space<vmem>>
      %dma_wait3A_215 = arith.constant 1536 : i32
      %dma_wait3A_216 = tpu.memref_slice %arg5[%dma_wait3A_215] : memref<1664xi32, #tpu.memory_space<vmem>> -> memref<128xi32, #tpu.memory_space<vmem>>
      %dma_wait3A_217 = arith.constant 0 : i32
      %dma_wait3A_218 = arith.constant 0 : i32
      %dma_wait3A_219 = tpu.memref_slice %arg2[%dma_wait3A_217, %dma_wait3A_218] : memref<10400000x32xf32, #tpu.memory_space<hbm>> -> memref<10400000x32xf32, #tpu.memory_space<hbm>>
      tpu.wait_indirect_dma semaphore(%arg7 : memref<!tpu.dma_semaphore, #tpu.memory_space<semaphore_mem>>) src(%dma_wait3A_219 : memref<10400000x32xf32, #tpu.memory_space<hbm>>) dst(%dma_wait3A_214 : memref<128x32xf32, #tpu.memory_space<vmem>>)
      %mul3A_220 = arith.constant 128 : i32
      %mul3A_221 = arith.muli %add3A_11, %mul3A_220 : i32
      "tpu.region"() ({
        %run_scoped3A = tpu.sem_alloc : memref<!tpu.dma_semaphore, #tpu.memory_space<semaphore_mem>>
        %dma_start3A_222 = arith.constant 0 : i32
        %dma_start3A_223 = tpu.memref_slice %arg4[%mul3A_221, %dma_start3A_222] : memref<5324800x32xf32, #tpu.memory_space<hbm>> -> memref<1664x32xf32, #tpu.memory_space<hbm>>
        %dma_start3A_224 = arith.constant 0 : i32
        %dma_start3A_225 = tpu.memref_slice %arg4[%mul3A_221, %dma_start3A_224] : memref<5324800x32xf32, #tpu.memory_space<hbm>> -> memref<1664x32xf32, #tpu.memory_space<hbm>>
        tpu.enqueue_dma source(%arg6 : memref<1664x32xf32, #tpu.memory_space<vmem>>) target(%dma_start3A_225 : memref<1664x32xf32, #tpu.memory_space<hbm>>) target_semaphore(%run_scoped3A : memref<!tpu.dma_semaphore, #tpu.memory_space<semaphore_mem>>)
        %dma_wait3A_226 = arith.constant 0 : i32
        %dma_wait3A_227 = tpu.memref_slice %arg4[%mul3A_221, %dma_wait3A_226] : memref<5324800x32xf32, #tpu.memory_space<hbm>> -> memref<1664x32xf32, #tpu.memory_space<hbm>>
        %dma_wait3A_228 = arith.constant 0 : i32
        %dma_wait3A_229 = tpu.memref_slice %arg4[%mul3A_221, %dma_wait3A_228] : memref<5324800x32xf32, #tpu.memory_space<hbm>> -> memref<1664x32xf32, #tpu.memory_space<hbm>>
        tpu.wait_dma2 semaphore(%run_scoped3A : memref<!tpu.dma_semaphore, #tpu.memory_space<semaphore_mem>>) src(%arg6 : memref<1664x32xf32, #tpu.memory_space<vmem>>) dst(%dma_wait3A_229 : memref<1664x32xf32, #tpu.memory_space<hbm>>)
        tpu.yield
      }) : () -> ()
    }
    %scan3A_7 = arith.constant 100 : i32
    return
  }
}

module attributes {stable_mosaic.version = 14 : i64} {
  func.func @_proj_body(%arg0: i32, %arg1: memref<26x512x128xf32, #tpu.memory_space<vmem>>, %arg2: memref<26x128x512xbf16, #tpu.memory_space<vmem>>, %arg3: memref<512x64xf32, #tpu.memory_space<vmem>>, %arg4: memref<512x64xf32, #tpu.memory_space<vmem>>, %arg5: memref<64x512xbf16, #tpu.memory_space<vmem>>, %arg6: memref<1x512xf32, #tpu.memory_space<vmem>>, %arg7: memref<512x512xf32, #tpu.memory_space<vmem>>) attributes {dimension_semantics = [#tpu.dimension_semantics<arbitrary>], iteration_bounds = array<i64: 100>, scalar_prefetch = 0 : i64, scratch_operands = 0 : i64, tpu.core_type = #tpu.core_type<tc>, window_params = [{transform_indices = @transform_0, window_bounds = array<i64: 26, 512, 128>}, {pipeline_mode = #tpu.pipeline_mode<synchronous>, transform_indices = @transform_1, window_bounds = array<i64: 26, 128, 512>}, {transform_indices = @transform_2, window_bounds = array<i64: 512, 64>}, {transform_indices = @transform_3, window_bounds = array<i64: 512, 64>}, {pipeline_mode = #tpu.pipeline_mode<synchronous>, transform_indices = @transform_4, window_bounds = array<i64: 64, 512>}, {pipeline_mode = #tpu.pipeline_mode<synchronous>, transform_indices = @transform_5, window_bounds = array<i64: 1, 512>}, {transform_indices = @transform_6, window_bounds = array<i64: 512, 512>}]} {
    %get3A = arith.constant 0 : index
    %get3A_0 = arith.constant 0 : index
    %get3A_1 = vector.load %arg3[%get3A, %get3A_0] : memref<512x64xf32, #tpu.memory_space<vmem>>, vector<512x64xf32>
    %get3A_2 = arith.constant 0 : index
    %get3A_3 = arith.constant 0 : index
    %get3A_4 = vector.load %arg4[%get3A_2, %get3A_3] : memref<512x64xf32, #tpu.memory_space<vmem>>, vector<512x64xf32>
    %mul3A = arith.mulf %get3A_1, %get3A_4 : vector<512x64xf32>
    %convert_element_type3A = arith.truncf %mul3A : vector<512x64xf32> to vector<512x64xbf16>
    %get3A_5 = arith.constant 0 : index
    %get3A_6 = arith.constant 0 : index
    %get3A_7 = vector.load %arg5[%get3A_5, %get3A_6] : memref<64x512xbf16, #tpu.memory_space<vmem>>, vector<64x512xbf16>
    %dot_general3A = arith.constant dense<0.000000e+00> : vector<512x512xf32>
    %dot_general3A_8 = tpu.matmul %convert_element_type3A, %get3A_7, %dot_general3A {dimension_numbers = #tpu.dot_dimension_numbers<[1], [0], [0], [1], [0, 0, 1, 1], [], []>, transpose_lhs_hint = false} : vector<512x64xbf16>, vector<64x512xbf16>, vector<512x512xf32> -> vector<512x512xf32>
    %get3A_9 = arith.constant 0 : index
    %get3A_10 = arith.constant 0 : index
    %get3A_11 = arith.constant 0 : index
    %get3A_12 = vector.load %arg1[%get3A_9, %get3A_10, %get3A_11] : memref<26x512x128xf32, #tpu.memory_space<vmem>>, vector<1x512x128xf32>
    %get3A_13 = vector.shape_cast %get3A_12 : vector<1x512x128xf32> to vector<512x128xf32>
    %convert_element_type3A_14 = arith.truncf %get3A_13 : vector<512x128xf32> to vector<512x128xbf16>
    %get3A_15 = arith.constant 0 : index
    %get3A_16 = arith.constant 0 : index
    %get3A_17 = arith.constant 0 : index
    %get3A_18 = vector.load %arg2[%get3A_15, %get3A_16, %get3A_17] : memref<26x128x512xbf16, #tpu.memory_space<vmem>>, vector<1x128x512xbf16>
    %get3A_19 = vector.shape_cast %get3A_18 : vector<1x128x512xbf16> to vector<128x512xbf16>
    %dot_general3A_20 = arith.constant dense<0.000000e+00> : vector<512x512xf32>
    %dot_general3A_21 = tpu.matmul %convert_element_type3A_14, %get3A_19, %dot_general3A_20 {dimension_numbers = #tpu.dot_dimension_numbers<[1], [0], [0], [1], [0, 0, 1, 1], [], []>, transpose_lhs_hint = false} : vector<512x128xbf16>, vector<128x512xbf16>, vector<512x512xf32> -> vector<512x512xf32>
    %add3A = arith.addf %dot_general3A_8, %dot_general3A_21 : vector<512x512xf32>
    %get3A_22 = arith.constant 1 : index
    %get3A_23 = arith.constant 0 : index
    %get3A_24 = arith.constant 0 : index
    %get3A_25 = vector.load %arg1[%get3A_22, %get3A_23, %get3A_24] : memref<26x512x128xf32, #tpu.memory_space<vmem>>, vector<1x512x128xf32>
    %get3A_26 = vector.shape_cast %get3A_25 : vector<1x512x128xf32> to vector<512x128xf32>
    %convert_element_type3A_27 = arith.truncf %get3A_26 : vector<512x128xf32> to vector<512x128xbf16>
    %get3A_28 = arith.constant 1 : index
    %get3A_29 = arith.constant 0 : index
    %get3A_30 = arith.constant 0 : index
    %get3A_31 = vector.load %arg2[%get3A_28, %get3A_29, %get3A_30] : memref<26x128x512xbf16, #tpu.memory_space<vmem>>, vector<1x128x512xbf16>
    %get3A_32 = vector.shape_cast %get3A_31 : vector<1x128x512xbf16> to vector<128x512xbf16>
    %dot_general3A_33 = arith.constant dense<0.000000e+00> : vector<512x512xf32>
    %dot_general3A_34 = tpu.matmul %convert_element_type3A_27, %get3A_32, %dot_general3A_33 {dimension_numbers = #tpu.dot_dimension_numbers<[1], [0], [0], [1], [0, 0, 1, 1], [], []>, transpose_lhs_hint = false} : vector<512x128xbf16>, vector<128x512xbf16>, vector<512x512xf32> -> vector<512x512xf32>
    %add3A_35 = arith.addf %add3A, %dot_general3A_34 : vector<512x512xf32>
    %get3A_36 = arith.constant 2 : index
    %get3A_37 = arith.constant 0 : index
    %get3A_38 = arith.constant 0 : index
    %get3A_39 = vector.load %arg1[%get3A_36, %get3A_37, %get3A_38] : memref<26x512x128xf32, #tpu.memory_space<vmem>>, vector<1x512x128xf32>
    %get3A_40 = vector.shape_cast %get3A_39 : vector<1x512x128xf32> to vector<512x128xf32>
    %convert_element_type3A_41 = arith.truncf %get3A_40 : vector<512x128xf32> to vector<512x128xbf16>
    %get3A_42 = arith.constant 2 : index
    %get3A_43 = arith.constant 0 : index
    %get3A_44 = arith.constant 0 : index
    %get3A_45 = vector.load %arg2[%get3A_42, %get3A_43, %get3A_44] : memref<26x128x512xbf16, #tpu.memory_space<vmem>>, vector<1x128x512xbf16>
    %get3A_46 = vector.shape_cast %get3A_45 : vector<1x128x512xbf16> to vector<128x512xbf16>
    %dot_general3A_47 = arith.constant dense<0.000000e+00> : vector<512x512xf32>
    %dot_general3A_48 = tpu.matmul %convert_element_type3A_41, %get3A_46, %dot_general3A_47 {dimension_numbers = #tpu.dot_dimension_numbers<[1], [0], [0], [1], [0, 0, 1, 1], [], []>, transpose_lhs_hint = false} : vector<512x128xbf16>, vector<128x512xbf16>, vector<512x512xf32> -> vector<512x512xf32>
    %add3A_49 = arith.addf %add3A_35, %dot_general3A_48 : vector<512x512xf32>
    %get3A_50 = arith.constant 3 : index
    %get3A_51 = arith.constant 0 : index
    %get3A_52 = arith.constant 0 : index
    %get3A_53 = vector.load %arg1[%get3A_50, %get3A_51, %get3A_52] : memref<26x512x128xf32, #tpu.memory_space<vmem>>, vector<1x512x128xf32>
    %get3A_54 = vector.shape_cast %get3A_53 : vector<1x512x128xf32> to vector<512x128xf32>
    %convert_element_type3A_55 = arith.truncf %get3A_54 : vector<512x128xf32> to vector<512x128xbf16>
    %get3A_56 = arith.constant 3 : index
    %get3A_57 = arith.constant 0 : index
    %get3A_58 = arith.constant 0 : index
    %get3A_59 = vector.load %arg2[%get3A_56, %get3A_57, %get3A_58] : memref<26x128x512xbf16, #tpu.memory_space<vmem>>, vector<1x128x512xbf16>
    %get3A_60 = vector.shape_cast %get3A_59 : vector<1x128x512xbf16> to vector<128x512xbf16>
    %dot_general3A_61 = arith.constant dense<0.000000e+00> : vector<512x512xf32>
    %dot_general3A_62 = tpu.matmul %convert_element_type3A_55, %get3A_60, %dot_general3A_61 {dimension_numbers = #tpu.dot_dimension_numbers<[1], [0], [0], [1], [0, 0, 1, 1], [], []>, transpose_lhs_hint = false} : vector<512x128xbf16>, vector<128x512xbf16>, vector<512x512xf32> -> vector<512x512xf32>
    %add3A_63 = arith.addf %add3A_49, %dot_general3A_62 : vector<512x512xf32>
    %get3A_64 = arith.constant 4 : index
    %get3A_65 = arith.constant 0 : index
    %get3A_66 = arith.constant 0 : index
    %get3A_67 = vector.load %arg1[%get3A_64, %get3A_65, %get3A_66] : memref<26x512x128xf32, #tpu.memory_space<vmem>>, vector<1x512x128xf32>
    %get3A_68 = vector.shape_cast %get3A_67 : vector<1x512x128xf32> to vector<512x128xf32>
    %convert_element_type3A_69 = arith.truncf %get3A_68 : vector<512x128xf32> to vector<512x128xbf16>
    %get3A_70 = arith.constant 4 : index
    %get3A_71 = arith.constant 0 : index
    %get3A_72 = arith.constant 0 : index
    %get3A_73 = vector.load %arg2[%get3A_70, %get3A_71, %get3A_72] : memref<26x128x512xbf16, #tpu.memory_space<vmem>>, vector<1x128x512xbf16>
    %get3A_74 = vector.shape_cast %get3A_73 : vector<1x128x512xbf16> to vector<128x512xbf16>
    %dot_general3A_75 = arith.constant dense<0.000000e+00> : vector<512x512xf32>
    %dot_general3A_76 = tpu.matmul %convert_element_type3A_69, %get3A_74, %dot_general3A_75 {dimension_numbers = #tpu.dot_dimension_numbers<[1], [0], [0], [1], [0, 0, 1, 1], [], []>, transpose_lhs_hint = false} : vector<512x128xbf16>, vector<128x512xbf16>, vector<512x512xf32> -> vector<512x512xf32>
    %add3A_77 = arith.addf %add3A_63, %dot_general3A_76 : vector<512x512xf32>
    %get3A_78 = arith.constant 5 : index
    %get3A_79 = arith.constant 0 : index
    %get3A_80 = arith.constant 0 : index
    %get3A_81 = vector.load %arg1[%get3A_78, %get3A_79, %get3A_80] : memref<26x512x128xf32, #tpu.memory_space<vmem>>, vector<1x512x128xf32>
    %get3A_82 = vector.shape_cast %get3A_81 : vector<1x512x128xf32> to vector<512x128xf32>
    %convert_element_type3A_83 = arith.truncf %get3A_82 : vector<512x128xf32> to vector<512x128xbf16>
    %get3A_84 = arith.constant 5 : index
    %get3A_85 = arith.constant 0 : index
    %get3A_86 = arith.constant 0 : index
    %get3A_87 = vector.load %arg2[%get3A_84, %get3A_85, %get3A_86] : memref<26x128x512xbf16, #tpu.memory_space<vmem>>, vector<1x128x512xbf16>
    %get3A_88 = vector.shape_cast %get3A_87 : vector<1x128x512xbf16> to vector<128x512xbf16>
    %dot_general3A_89 = arith.constant dense<0.000000e+00> : vector<512x512xf32>
    %dot_general3A_90 = tpu.matmul %convert_element_type3A_83, %get3A_88, %dot_general3A_89 {dimension_numbers = #tpu.dot_dimension_numbers<[1], [0], [0], [1], [0, 0, 1, 1], [], []>, transpose_lhs_hint = false} : vector<512x128xbf16>, vector<128x512xbf16>, vector<512x512xf32> -> vector<512x512xf32>
    %add3A_91 = arith.addf %add3A_77, %dot_general3A_90 : vector<512x512xf32>
    %get3A_92 = arith.constant 6 : index
    %get3A_93 = arith.constant 0 : index
    %get3A_94 = arith.constant 0 : index
    %get3A_95 = vector.load %arg1[%get3A_92, %get3A_93, %get3A_94] : memref<26x512x128xf32, #tpu.memory_space<vmem>>, vector<1x512x128xf32>
    %get3A_96 = vector.shape_cast %get3A_95 : vector<1x512x128xf32> to vector<512x128xf32>
    %convert_element_type3A_97 = arith.truncf %get3A_96 : vector<512x128xf32> to vector<512x128xbf16>
    %get3A_98 = arith.constant 6 : index
    %get3A_99 = arith.constant 0 : index
    %get3A_100 = arith.constant 0 : index
    %get3A_101 = vector.load %arg2[%get3A_98, %get3A_99, %get3A_100] : memref<26x128x512xbf16, #tpu.memory_space<vmem>>, vector<1x128x512xbf16>
    %get3A_102 = vector.shape_cast %get3A_101 : vector<1x128x512xbf16> to vector<128x512xbf16>
    %dot_general3A_103 = arith.constant dense<0.000000e+00> : vector<512x512xf32>
    %dot_general3A_104 = tpu.matmul %convert_element_type3A_97, %get3A_102, %dot_general3A_103 {dimension_numbers = #tpu.dot_dimension_numbers<[1], [0], [0], [1], [0, 0, 1, 1], [], []>, transpose_lhs_hint = false} : vector<512x128xbf16>, vector<128x512xbf16>, vector<512x512xf32> -> vector<512x512xf32>
    %add3A_105 = arith.addf %add3A_91, %dot_general3A_104 : vector<512x512xf32>
    %get3A_106 = arith.constant 7 : index
    %get3A_107 = arith.constant 0 : index
    %get3A_108 = arith.constant 0 : index
    %get3A_109 = vector.load %arg1[%get3A_106, %get3A_107, %get3A_108] : memref<26x512x128xf32, #tpu.memory_space<vmem>>, vector<1x512x128xf32>
    %get3A_110 = vector.shape_cast %get3A_109 : vector<1x512x128xf32> to vector<512x128xf32>
    %convert_element_type3A_111 = arith.truncf %get3A_110 : vector<512x128xf32> to vector<512x128xbf16>
    %get3A_112 = arith.constant 7 : index
    %get3A_113 = arith.constant 0 : index
    %get3A_114 = arith.constant 0 : index
    %get3A_115 = vector.load %arg2[%get3A_112, %get3A_113, %get3A_114] : memref<26x128x512xbf16, #tpu.memory_space<vmem>>, vector<1x128x512xbf16>
    %get3A_116 = vector.shape_cast %get3A_115 : vector<1x128x512xbf16> to vector<128x512xbf16>
    %dot_general3A_117 = arith.constant dense<0.000000e+00> : vector<512x512xf32>
    %dot_general3A_118 = tpu.matmul %convert_element_type3A_111, %get3A_116, %dot_general3A_117 {dimension_numbers = #tpu.dot_dimension_numbers<[1], [0], [0], [1], [0, 0, 1, 1], [], []>, transpose_lhs_hint = false} : vector<512x128xbf16>, vector<128x512xbf16>, vector<512x512xf32> -> vector<512x512xf32>
    %add3A_119 = arith.addf %add3A_105, %dot_general3A_118 : vector<512x512xf32>
    %get3A_120 = arith.constant 8 : index
    %get3A_121 = arith.constant 0 : index
    %get3A_122 = arith.constant 0 : index
    %get3A_123 = vector.load %arg1[%get3A_120, %get3A_121, %get3A_122] : memref<26x512x128xf32, #tpu.memory_space<vmem>>, vector<1x512x128xf32>
    %get3A_124 = vector.shape_cast %get3A_123 : vector<1x512x128xf32> to vector<512x128xf32>
    %convert_element_type3A_125 = arith.truncf %get3A_124 : vector<512x128xf32> to vector<512x128xbf16>
    %get3A_126 = arith.constant 8 : index
    %get3A_127 = arith.constant 0 : index
    %get3A_128 = arith.constant 0 : index
    %get3A_129 = vector.load %arg2[%get3A_126, %get3A_127, %get3A_128] : memref<26x128x512xbf16, #tpu.memory_space<vmem>>, vector<1x128x512xbf16>
    %get3A_130 = vector.shape_cast %get3A_129 : vector<1x128x512xbf16> to vector<128x512xbf16>
    %dot_general3A_131 = arith.constant dense<0.000000e+00> : vector<512x512xf32>
    %dot_general3A_132 = tpu.matmul %convert_element_type3A_125, %get3A_130, %dot_general3A_131 {dimension_numbers = #tpu.dot_dimension_numbers<[1], [0], [0], [1], [0, 0, 1, 1], [], []>, transpose_lhs_hint = false} : vector<512x128xbf16>, vector<128x512xbf16>, vector<512x512xf32> -> vector<512x512xf32>
    %add3A_133 = arith.addf %add3A_119, %dot_general3A_132 : vector<512x512xf32>
    %get3A_134 = arith.constant 9 : index
    %get3A_135 = arith.constant 0 : index
    %get3A_136 = arith.constant 0 : index
    %get3A_137 = vector.load %arg1[%get3A_134, %get3A_135, %get3A_136] : memref<26x512x128xf32, #tpu.memory_space<vmem>>, vector<1x512x128xf32>
    %get3A_138 = vector.shape_cast %get3A_137 : vector<1x512x128xf32> to vector<512x128xf32>
    %convert_element_type3A_139 = arith.truncf %get3A_138 : vector<512x128xf32> to vector<512x128xbf16>
    %get3A_140 = arith.constant 9 : index
    %get3A_141 = arith.constant 0 : index
    %get3A_142 = arith.constant 0 : index
    %get3A_143 = vector.load %arg2[%get3A_140, %get3A_141, %get3A_142] : memref<26x128x512xbf16, #tpu.memory_space<vmem>>, vector<1x128x512xbf16>
    %get3A_144 = vector.shape_cast %get3A_143 : vector<1x128x512xbf16> to vector<128x512xbf16>
    %dot_general3A_145 = arith.constant dense<0.000000e+00> : vector<512x512xf32>
    %dot_general3A_146 = tpu.matmul %convert_element_type3A_139, %get3A_144, %dot_general3A_145 {dimension_numbers = #tpu.dot_dimension_numbers<[1], [0], [0], [1], [0, 0, 1, 1], [], []>, transpose_lhs_hint = false} : vector<512x128xbf16>, vector<128x512xbf16>, vector<512x512xf32> -> vector<512x512xf32>
    %add3A_147 = arith.addf %add3A_133, %dot_general3A_146 : vector<512x512xf32>
    %get3A_148 = arith.constant 10 : index
    %get3A_149 = arith.constant 0 : index
    %get3A_150 = arith.constant 0 : index
    %get3A_151 = vector.load %arg1[%get3A_148, %get3A_149, %get3A_150] : memref<26x512x128xf32, #tpu.memory_space<vmem>>, vector<1x512x128xf32>
    %get3A_152 = vector.shape_cast %get3A_151 : vector<1x512x128xf32> to vector<512x128xf32>
    %convert_element_type3A_153 = arith.truncf %get3A_152 : vector<512x128xf32> to vector<512x128xbf16>
    %get3A_154 = arith.constant 10 : index
    %get3A_155 = arith.constant 0 : index
    %get3A_156 = arith.constant 0 : index
    %get3A_157 = vector.load %arg2[%get3A_154, %get3A_155, %get3A_156] : memref<26x128x512xbf16, #tpu.memory_space<vmem>>, vector<1x128x512xbf16>
    %get3A_158 = vector.shape_cast %get3A_157 : vector<1x128x512xbf16> to vector<128x512xbf16>
    %dot_general3A_159 = arith.constant dense<0.000000e+00> : vector<512x512xf32>
    %dot_general3A_160 = tpu.matmul %convert_element_type3A_153, %get3A_158, %dot_general3A_159 {dimension_numbers = #tpu.dot_dimension_numbers<[1], [0], [0], [1], [0, 0, 1, 1], [], []>, transpose_lhs_hint = false} : vector<512x128xbf16>, vector<128x512xbf16>, vector<512x512xf32> -> vector<512x512xf32>
    %add3A_161 = arith.addf %add3A_147, %dot_general3A_160 : vector<512x512xf32>
    %get3A_162 = arith.constant 11 : index
    %get3A_163 = arith.constant 0 : index
    %get3A_164 = arith.constant 0 : index
    %get3A_165 = vector.load %arg1[%get3A_162, %get3A_163, %get3A_164] : memref<26x512x128xf32, #tpu.memory_space<vmem>>, vector<1x512x128xf32>
    %get3A_166 = vector.shape_cast %get3A_165 : vector<1x512x128xf32> to vector<512x128xf32>
    %convert_element_type3A_167 = arith.truncf %get3A_166 : vector<512x128xf32> to vector<512x128xbf16>
    %get3A_168 = arith.constant 11 : index
    %get3A_169 = arith.constant 0 : index
    %get3A_170 = arith.constant 0 : index
    %get3A_171 = vector.load %arg2[%get3A_168, %get3A_169, %get3A_170] : memref<26x128x512xbf16, #tpu.memory_space<vmem>>, vector<1x128x512xbf16>
    %get3A_172 = vector.shape_cast %get3A_171 : vector<1x128x512xbf16> to vector<128x512xbf16>
    %dot_general3A_173 = arith.constant dense<0.000000e+00> : vector<512x512xf32>
    %dot_general3A_174 = tpu.matmul %convert_element_type3A_167, %get3A_172, %dot_general3A_173 {dimension_numbers = #tpu.dot_dimension_numbers<[1], [0], [0], [1], [0, 0, 1, 1], [], []>, transpose_lhs_hint = false} : vector<512x128xbf16>, vector<128x512xbf16>, vector<512x512xf32> -> vector<512x512xf32>
    %add3A_175 = arith.addf %add3A_161, %dot_general3A_174 : vector<512x512xf32>
    %get3A_176 = arith.constant 12 : index
    %get3A_177 = arith.constant 0 : index
    %get3A_178 = arith.constant 0 : index
    %get3A_179 = vector.load %arg1[%get3A_176, %get3A_177, %get3A_178] : memref<26x512x128xf32, #tpu.memory_space<vmem>>, vector<1x512x128xf32>
    %get3A_180 = vector.shape_cast %get3A_179 : vector<1x512x128xf32> to vector<512x128xf32>
    %convert_element_type3A_181 = arith.truncf %get3A_180 : vector<512x128xf32> to vector<512x128xbf16>
    %get3A_182 = arith.constant 12 : index
    %get3A_183 = arith.constant 0 : index
    %get3A_184 = arith.constant 0 : index
    %get3A_185 = vector.load %arg2[%get3A_182, %get3A_183, %get3A_184] : memref<26x128x512xbf16, #tpu.memory_space<vmem>>, vector<1x128x512xbf16>
    %get3A_186 = vector.shape_cast %get3A_185 : vector<1x128x512xbf16> to vector<128x512xbf16>
    %dot_general3A_187 = arith.constant dense<0.000000e+00> : vector<512x512xf32>
    %dot_general3A_188 = tpu.matmul %convert_element_type3A_181, %get3A_186, %dot_general3A_187 {dimension_numbers = #tpu.dot_dimension_numbers<[1], [0], [0], [1], [0, 0, 1, 1], [], []>, transpose_lhs_hint = false} : vector<512x128xbf16>, vector<128x512xbf16>, vector<512x512xf32> -> vector<512x512xf32>
    %add3A_189 = arith.addf %add3A_175, %dot_general3A_188 : vector<512x512xf32>
    %get3A_190 = arith.constant 13 : index
    %get3A_191 = arith.constant 0 : index
    %get3A_192 = arith.constant 0 : index
    %get3A_193 = vector.load %arg1[%get3A_190, %get3A_191, %get3A_192] : memref<26x512x128xf32, #tpu.memory_space<vmem>>, vector<1x512x128xf32>
    %get3A_194 = vector.shape_cast %get3A_193 : vector<1x512x128xf32> to vector<512x128xf32>
    %convert_element_type3A_195 = arith.truncf %get3A_194 : vector<512x128xf32> to vector<512x128xbf16>
    %get3A_196 = arith.constant 13 : index
    %get3A_197 = arith.constant 0 : index
    %get3A_198 = arith.constant 0 : index
    %get3A_199 = vector.load %arg2[%get3A_196, %get3A_197, %get3A_198] : memref<26x128x512xbf16, #tpu.memory_space<vmem>>, vector<1x128x512xbf16>
    %get3A_200 = vector.shape_cast %get3A_199 : vector<1x128x512xbf16> to vector<128x512xbf16>
    %dot_general3A_201 = arith.constant dense<0.000000e+00> : vector<512x512xf32>
    %dot_general3A_202 = tpu.matmul %convert_element_type3A_195, %get3A_200, %dot_general3A_201 {dimension_numbers = #tpu.dot_dimension_numbers<[1], [0], [0], [1], [0, 0, 1, 1], [], []>, transpose_lhs_hint = false} : vector<512x128xbf16>, vector<128x512xbf16>, vector<512x512xf32> -> vector<512x512xf32>
    %add3A_203 = arith.addf %add3A_189, %dot_general3A_202 : vector<512x512xf32>
    %get3A_204 = arith.constant 14 : index
    %get3A_205 = arith.constant 0 : index
    %get3A_206 = arith.constant 0 : index
    %get3A_207 = vector.load %arg1[%get3A_204, %get3A_205, %get3A_206] : memref<26x512x128xf32, #tpu.memory_space<vmem>>, vector<1x512x128xf32>
    %get3A_208 = vector.shape_cast %get3A_207 : vector<1x512x128xf32> to vector<512x128xf32>
    %convert_element_type3A_209 = arith.truncf %get3A_208 : vector<512x128xf32> to vector<512x128xbf16>
    %get3A_210 = arith.constant 14 : index
    %get3A_211 = arith.constant 0 : index
    %get3A_212 = arith.constant 0 : index
    %get3A_213 = vector.load %arg2[%get3A_210, %get3A_211, %get3A_212] : memref<26x128x512xbf16, #tpu.memory_space<vmem>>, vector<1x128x512xbf16>
    %get3A_214 = vector.shape_cast %get3A_213 : vector<1x128x512xbf16> to vector<128x512xbf16>
    %dot_general3A_215 = arith.constant dense<0.000000e+00> : vector<512x512xf32>
    %dot_general3A_216 = tpu.matmul %convert_element_type3A_209, %get3A_214, %dot_general3A_215 {dimension_numbers = #tpu.dot_dimension_numbers<[1], [0], [0], [1], [0, 0, 1, 1], [], []>, transpose_lhs_hint = false} : vector<512x128xbf16>, vector<128x512xbf16>, vector<512x512xf32> -> vector<512x512xf32>
    %add3A_217 = arith.addf %add3A_203, %dot_general3A_216 : vector<512x512xf32>
    %get3A_218 = arith.constant 15 : index
    %get3A_219 = arith.constant 0 : index
    %get3A_220 = arith.constant 0 : index
    %get3A_221 = vector.load %arg1[%get3A_218, %get3A_219, %get3A_220] : memref<26x512x128xf32, #tpu.memory_space<vmem>>, vector<1x512x128xf32>
    %get3A_222 = vector.shape_cast %get3A_221 : vector<1x512x128xf32> to vector<512x128xf32>
    %convert_element_type3A_223 = arith.truncf %get3A_222 : vector<512x128xf32> to vector<512x128xbf16>
    %get3A_224 = arith.constant 15 : index
    %get3A_225 = arith.constant 0 : index
    %get3A_226 = arith.constant 0 : index
    %get3A_227 = vector.load %arg2[%get3A_224, %get3A_225, %get3A_226] : memref<26x128x512xbf16, #tpu.memory_space<vmem>>, vector<1x128x512xbf16>
    %get3A_228 = vector.shape_cast %get3A_227 : vector<1x128x512xbf16> to vector<128x512xbf16>
    %dot_general3A_229 = arith.constant dense<0.000000e+00> : vector<512x512xf32>
    %dot_general3A_230 = tpu.matmul %convert_element_type3A_223, %get3A_228, %dot_general3A_229 {dimension_numbers = #tpu.dot_dimension_numbers<[1], [0], [0], [1], [0, 0, 1, 1], [], []>, transpose_lhs_hint = false} : vector<512x128xbf16>, vector<128x512xbf16>, vector<512x512xf32> -> vector<512x512xf32>
    %add3A_231 = arith.addf %add3A_217, %dot_general3A_230 : vector<512x512xf32>
    %get3A_232 = arith.constant 16 : index
    %get3A_233 = arith.constant 0 : index
    %get3A_234 = arith.constant 0 : index
    %get3A_235 = vector.load %arg1[%get3A_232, %get3A_233, %get3A_234] : memref<26x512x128xf32, #tpu.memory_space<vmem>>, vector<1x512x128xf32>
    %get3A_236 = vector.shape_cast %get3A_235 : vector<1x512x128xf32> to vector<512x128xf32>
    %convert_element_type3A_237 = arith.truncf %get3A_236 : vector<512x128xf32> to vector<512x128xbf16>
    %get3A_238 = arith.constant 16 : index
    %get3A_239 = arith.constant 0 : index
    %get3A_240 = arith.constant 0 : index
    %get3A_241 = vector.load %arg2[%get3A_238, %get3A_239, %get3A_240] : memref<26x128x512xbf16, #tpu.memory_space<vmem>>, vector<1x128x512xbf16>
    %get3A_242 = vector.shape_cast %get3A_241 : vector<1x128x512xbf16> to vector<128x512xbf16>
    %dot_general3A_243 = arith.constant dense<0.000000e+00> : vector<512x512xf32>
    %dot_general3A_244 = tpu.matmul %convert_element_type3A_237, %get3A_242, %dot_general3A_243 {dimension_numbers = #tpu.dot_dimension_numbers<[1], [0], [0], [1], [0, 0, 1, 1], [], []>, transpose_lhs_hint = false} : vector<512x128xbf16>, vector<128x512xbf16>, vector<512x512xf32> -> vector<512x512xf32>
    %add3A_245 = arith.addf %add3A_231, %dot_general3A_244 : vector<512x512xf32>
    %get3A_246 = arith.constant 17 : index
    %get3A_247 = arith.constant 0 : index
    %get3A_248 = arith.constant 0 : index
    %get3A_249 = vector.load %arg1[%get3A_246, %get3A_247, %get3A_248] : memref<26x512x128xf32, #tpu.memory_space<vmem>>, vector<1x512x128xf32>
    %get3A_250 = vector.shape_cast %get3A_249 : vector<1x512x128xf32> to vector<512x128xf32>
    %convert_element_type3A_251 = arith.truncf %get3A_250 : vector<512x128xf32> to vector<512x128xbf16>
    %get3A_252 = arith.constant 17 : index
    %get3A_253 = arith.constant 0 : index
    %get3A_254 = arith.constant 0 : index
    %get3A_255 = vector.load %arg2[%get3A_252, %get3A_253, %get3A_254] : memref<26x128x512xbf16, #tpu.memory_space<vmem>>, vector<1x128x512xbf16>
    %get3A_256 = vector.shape_cast %get3A_255 : vector<1x128x512xbf16> to vector<128x512xbf16>
    %dot_general3A_257 = arith.constant dense<0.000000e+00> : vector<512x512xf32>
    %dot_general3A_258 = tpu.matmul %convert_element_type3A_251, %get3A_256, %dot_general3A_257 {dimension_numbers = #tpu.dot_dimension_numbers<[1], [0], [0], [1], [0, 0, 1, 1], [], []>, transpose_lhs_hint = false} : vector<512x128xbf16>, vector<128x512xbf16>, vector<512x512xf32> -> vector<512x512xf32>
    %add3A_259 = arith.addf %add3A_245, %dot_general3A_258 : vector<512x512xf32>
    %get3A_260 = arith.constant 18 : index
    %get3A_261 = arith.constant 0 : index
    %get3A_262 = arith.constant 0 : index
    %get3A_263 = vector.load %arg1[%get3A_260, %get3A_261, %get3A_262] : memref<26x512x128xf32, #tpu.memory_space<vmem>>, vector<1x512x128xf32>
    %get3A_264 = vector.shape_cast %get3A_263 : vector<1x512x128xf32> to vector<512x128xf32>
    %convert_element_type3A_265 = arith.truncf %get3A_264 : vector<512x128xf32> to vector<512x128xbf16>
    %get3A_266 = arith.constant 18 : index
    %get3A_267 = arith.constant 0 : index
    %get3A_268 = arith.constant 0 : index
    %get3A_269 = vector.load %arg2[%get3A_266, %get3A_267, %get3A_268] : memref<26x128x512xbf16, #tpu.memory_space<vmem>>, vector<1x128x512xbf16>
    %get3A_270 = vector.shape_cast %get3A_269 : vector<1x128x512xbf16> to vector<128x512xbf16>
    %dot_general3A_271 = arith.constant dense<0.000000e+00> : vector<512x512xf32>
    %dot_general3A_272 = tpu.matmul %convert_element_type3A_265, %get3A_270, %dot_general3A_271 {dimension_numbers = #tpu.dot_dimension_numbers<[1], [0], [0], [1], [0, 0, 1, 1], [], []>, transpose_lhs_hint = false} : vector<512x128xbf16>, vector<128x512xbf16>, vector<512x512xf32> -> vector<512x512xf32>
    %add3A_273 = arith.addf %add3A_259, %dot_general3A_272 : vector<512x512xf32>
    %get3A_274 = arith.constant 19 : index
    %get3A_275 = arith.constant 0 : index
    %get3A_276 = arith.constant 0 : index
    %get3A_277 = vector.load %arg1[%get3A_274, %get3A_275, %get3A_276] : memref<26x512x128xf32, #tpu.memory_space<vmem>>, vector<1x512x128xf32>
    %get3A_278 = vector.shape_cast %get3A_277 : vector<1x512x128xf32> to vector<512x128xf32>
    %convert_element_type3A_279 = arith.truncf %get3A_278 : vector<512x128xf32> to vector<512x128xbf16>
    %get3A_280 = arith.constant 19 : index
    %get3A_281 = arith.constant 0 : index
    %get3A_282 = arith.constant 0 : index
    %get3A_283 = vector.load %arg2[%get3A_280, %get3A_281, %get3A_282] : memref<26x128x512xbf16, #tpu.memory_space<vmem>>, vector<1x128x512xbf16>
    %get3A_284 = vector.shape_cast %get3A_283 : vector<1x128x512xbf16> to vector<128x512xbf16>
    %dot_general3A_285 = arith.constant dense<0.000000e+00> : vector<512x512xf32>
    %dot_general3A_286 = tpu.matmul %convert_element_type3A_279, %get3A_284, %dot_general3A_285 {dimension_numbers = #tpu.dot_dimension_numbers<[1], [0], [0], [1], [0, 0, 1, 1], [], []>, transpose_lhs_hint = false} : vector<512x128xbf16>, vector<128x512xbf16>, vector<512x512xf32> -> vector<512x512xf32>
    %add3A_287 = arith.addf %add3A_273, %dot_general3A_286 : vector<512x512xf32>
    %get3A_288 = arith.constant 20 : index
    %get3A_289 = arith.constant 0 : index
    %get3A_290 = arith.constant 0 : index
    %get3A_291 = vector.load %arg1[%get3A_288, %get3A_289, %get3A_290] : memref<26x512x128xf32, #tpu.memory_space<vmem>>, vector<1x512x128xf32>
    %get3A_292 = vector.shape_cast %get3A_291 : vector<1x512x128xf32> to vector<512x128xf32>
    %convert_element_type3A_293 = arith.truncf %get3A_292 : vector<512x128xf32> to vector<512x128xbf16>
    %get3A_294 = arith.constant 20 : index
    %get3A_295 = arith.constant 0 : index
    %get3A_296 = arith.constant 0 : index
    %get3A_297 = vector.load %arg2[%get3A_294, %get3A_295, %get3A_296] : memref<26x128x512xbf16, #tpu.memory_space<vmem>>, vector<1x128x512xbf16>
    %get3A_298 = vector.shape_cast %get3A_297 : vector<1x128x512xbf16> to vector<128x512xbf16>
    %dot_general3A_299 = arith.constant dense<0.000000e+00> : vector<512x512xf32>
    %dot_general3A_300 = tpu.matmul %convert_element_type3A_293, %get3A_298, %dot_general3A_299 {dimension_numbers = #tpu.dot_dimension_numbers<[1], [0], [0], [1], [0, 0, 1, 1], [], []>, transpose_lhs_hint = false} : vector<512x128xbf16>, vector<128x512xbf16>, vector<512x512xf32> -> vector<512x512xf32>
    %add3A_301 = arith.addf %add3A_287, %dot_general3A_300 : vector<512x512xf32>
    %get3A_302 = arith.constant 21 : index
    %get3A_303 = arith.constant 0 : index
    %get3A_304 = arith.constant 0 : index
    %get3A_305 = vector.load %arg1[%get3A_302, %get3A_303, %get3A_304] : memref<26x512x128xf32, #tpu.memory_space<vmem>>, vector<1x512x128xf32>
    %get3A_306 = vector.shape_cast %get3A_305 : vector<1x512x128xf32> to vector<512x128xf32>
    %convert_element_type3A_307 = arith.truncf %get3A_306 : vector<512x128xf32> to vector<512x128xbf16>
    %get3A_308 = arith.constant 21 : index
    %get3A_309 = arith.constant 0 : index
    %get3A_310 = arith.constant 0 : index
    %get3A_311 = vector.load %arg2[%get3A_308, %get3A_309, %get3A_310] : memref<26x128x512xbf16, #tpu.memory_space<vmem>>, vector<1x128x512xbf16>
    %get3A_312 = vector.shape_cast %get3A_311 : vector<1x128x512xbf16> to vector<128x512xbf16>
    %dot_general3A_313 = arith.constant dense<0.000000e+00> : vector<512x512xf32>
    %dot_general3A_314 = tpu.matmul %convert_element_type3A_307, %get3A_312, %dot_general3A_313 {dimension_numbers = #tpu.dot_dimension_numbers<[1], [0], [0], [1], [0, 0, 1, 1], [], []>, transpose_lhs_hint = false} : vector<512x128xbf16>, vector<128x512xbf16>, vector<512x512xf32> -> vector<512x512xf32>
    %add3A_315 = arith.addf %add3A_301, %dot_general3A_314 : vector<512x512xf32>
    %get3A_316 = arith.constant 22 : index
    %get3A_317 = arith.constant 0 : index
    %get3A_318 = arith.constant 0 : index
    %get3A_319 = vector.load %arg1[%get3A_316, %get3A_317, %get3A_318] : memref<26x512x128xf32, #tpu.memory_space<vmem>>, vector<1x512x128xf32>
    %get3A_320 = vector.shape_cast %get3A_319 : vector<1x512x128xf32> to vector<512x128xf32>
    %convert_element_type3A_321 = arith.truncf %get3A_320 : vector<512x128xf32> to vector<512x128xbf16>
    %get3A_322 = arith.constant 22 : index
    %get3A_323 = arith.constant 0 : index
    %get3A_324 = arith.constant 0 : index
    %get3A_325 = vector.load %arg2[%get3A_322, %get3A_323, %get3A_324] : memref<26x128x512xbf16, #tpu.memory_space<vmem>>, vector<1x128x512xbf16>
    %get3A_326 = vector.shape_cast %get3A_325 : vector<1x128x512xbf16> to vector<128x512xbf16>
    %dot_general3A_327 = arith.constant dense<0.000000e+00> : vector<512x512xf32>
    %dot_general3A_328 = tpu.matmul %convert_element_type3A_321, %get3A_326, %dot_general3A_327 {dimension_numbers = #tpu.dot_dimension_numbers<[1], [0], [0], [1], [0, 0, 1, 1], [], []>, transpose_lhs_hint = false} : vector<512x128xbf16>, vector<128x512xbf16>, vector<512x512xf32> -> vector<512x512xf32>
    %add3A_329 = arith.addf %add3A_315, %dot_general3A_328 : vector<512x512xf32>
    %get3A_330 = arith.constant 23 : index
    %get3A_331 = arith.constant 0 : index
    %get3A_332 = arith.constant 0 : index
    %get3A_333 = vector.load %arg1[%get3A_330, %get3A_331, %get3A_332] : memref<26x512x128xf32, #tpu.memory_space<vmem>>, vector<1x512x128xf32>
    %get3A_334 = vector.shape_cast %get3A_333 : vector<1x512x128xf32> to vector<512x128xf32>
    %convert_element_type3A_335 = arith.truncf %get3A_334 : vector<512x128xf32> to vector<512x128xbf16>
    %get3A_336 = arith.constant 23 : index
    %get3A_337 = arith.constant 0 : index
    %get3A_338 = arith.constant 0 : index
    %get3A_339 = vector.load %arg2[%get3A_336, %get3A_337, %get3A_338] : memref<26x128x512xbf16, #tpu.memory_space<vmem>>, vector<1x128x512xbf16>
    %get3A_340 = vector.shape_cast %get3A_339 : vector<1x128x512xbf16> to vector<128x512xbf16>
    %dot_general3A_341 = arith.constant dense<0.000000e+00> : vector<512x512xf32>
    %dot_general3A_342 = tpu.matmul %convert_element_type3A_335, %get3A_340, %dot_general3A_341 {dimension_numbers = #tpu.dot_dimension_numbers<[1], [0], [0], [1], [0, 0, 1, 1], [], []>, transpose_lhs_hint = false} : vector<512x128xbf16>, vector<128x512xbf16>, vector<512x512xf32> -> vector<512x512xf32>
    %add3A_343 = arith.addf %add3A_329, %dot_general3A_342 : vector<512x512xf32>
    %get3A_344 = arith.constant 24 : index
    %get3A_345 = arith.constant 0 : index
    %get3A_346 = arith.constant 0 : index
    %get3A_347 = vector.load %arg1[%get3A_344, %get3A_345, %get3A_346] : memref<26x512x128xf32, #tpu.memory_space<vmem>>, vector<1x512x128xf32>
    %get3A_348 = vector.shape_cast %get3A_347 : vector<1x512x128xf32> to vector<512x128xf32>
    %convert_element_type3A_349 = arith.truncf %get3A_348 : vector<512x128xf32> to vector<512x128xbf16>
    %get3A_350 = arith.constant 24 : index
    %get3A_351 = arith.constant 0 : index
    %get3A_352 = arith.constant 0 : index
    %get3A_353 = vector.load %arg2[%get3A_350, %get3A_351, %get3A_352] : memref<26x128x512xbf16, #tpu.memory_space<vmem>>, vector<1x128x512xbf16>
    %get3A_354 = vector.shape_cast %get3A_353 : vector<1x128x512xbf16> to vector<128x512xbf16>
    %dot_general3A_355 = arith.constant dense<0.000000e+00> : vector<512x512xf32>
    %dot_general3A_356 = tpu.matmul %convert_element_type3A_349, %get3A_354, %dot_general3A_355 {dimension_numbers = #tpu.dot_dimension_numbers<[1], [0], [0], [1], [0, 0, 1, 1], [], []>, transpose_lhs_hint = false} : vector<512x128xbf16>, vector<128x512xbf16>, vector<512x512xf32> -> vector<512x512xf32>
    %add3A_357 = arith.addf %add3A_343, %dot_general3A_356 : vector<512x512xf32>
    %get3A_358 = arith.constant 25 : index
    %get3A_359 = arith.constant 0 : index
    %get3A_360 = arith.constant 0 : index
    %get3A_361 = vector.load %arg1[%get3A_358, %get3A_359, %get3A_360] : memref<26x512x128xf32, #tpu.memory_space<vmem>>, vector<1x512x128xf32>
    %get3A_362 = vector.shape_cast %get3A_361 : vector<1x512x128xf32> to vector<512x128xf32>
    %convert_element_type3A_363 = arith.truncf %get3A_362 : vector<512x128xf32> to vector<512x128xbf16>
    %get3A_364 = arith.constant 25 : index
    %get3A_365 = arith.constant 0 : index
    %get3A_366 = arith.constant 0 : index
    %get3A_367 = vector.load %arg2[%get3A_364, %get3A_365, %get3A_366] : memref<26x128x512xbf16, #tpu.memory_space<vmem>>, vector<1x128x512xbf16>
    %get3A_368 = vector.shape_cast %get3A_367 : vector<1x128x512xbf16> to vector<128x512xbf16>
    %dot_general3A_369 = arith.constant dense<0.000000e+00> : vector<512x512xf32>
    %dot_general3A_370 = tpu.matmul %convert_element_type3A_363, %get3A_368, %dot_general3A_369 {dimension_numbers = #tpu.dot_dimension_numbers<[1], [0], [0], [1], [0, 0, 1, 1], [], []>, transpose_lhs_hint = false} : vector<512x128xbf16>, vector<128x512xbf16>, vector<512x512xf32> -> vector<512x512xf32>
    %add3A_371 = arith.addf %add3A_357, %dot_general3A_370 : vector<512x512xf32>
    %get3A_372 = arith.constant 0 : index
    %get3A_373 = arith.constant 0 : index
    %get3A_374 = vector.load %arg6[%get3A_372, %get3A_373] : memref<1x512xf32, #tpu.memory_space<vmem>>, vector<1x512xf32>
    %add3A_375 = vector.broadcast %get3A_374 : vector<1x512xf32> to vector<512x512xf32>
    %add3A_376 = arith.addf %add3A_371, %add3A_375 : vector<512x512xf32>
    %swap3A = arith.constant 0 : index
    %swap3A_377 = arith.constant 0 : index
    %swap3A_378 = vector.load %arg7[%swap3A, %swap3A_377] : memref<512x512xf32, #tpu.memory_space<vmem>>, vector<512x512xf32>
    tpu.vector_store %arg7[%swap3A, %swap3A_377], %add3A_376 {strides = array<i32>} : memref<512x512xf32, #tpu.memory_space<vmem>>, vector<512x512xf32>,
    return
  }
  func.func @transform_0(%arg0: i32) -> (i32, i32, i32) {
    %c0_i32 = arith.constant 0 : i32
    %c0_i32_0 = arith.constant 0 : i32
    %c0_i32_1 = arith.constant 0 : i32
    return %c0_i32, %arg0, %c0_i32_0 : i32, i32, i32
  }
  func.func @transform_1(%arg0: i32) -> (i32, i32, i32) {
    %c0_i32 = arith.constant 0 : i32
    %c0_i32_0 = arith.constant 0 : i32
    %c0_i32_1 = arith.constant 0 : i32
    %c0_i32_2 = arith.constant 0 : i32
    return %c0_i32, %c0_i32_0, %c0_i32_1 : i32, i32, i32
  }
  func.func @transform_2(%arg0: i32) -> (i32, i32) {
    %c0_i32 = arith.constant 0 : i32
    %c0_i32_0 = arith.constant 0 : i32
    return %arg0, %c0_i32 : i32, i32
  }
  func.func @transform_3(%arg0: i32) -> (i32, i32) {
    %c0_i32 = arith.constant 0 : i32
    %c0_i32_0 = arith.constant 0 : i32
    return %arg0, %c0_i32 : i32, i32
  }
  func.func @transform_4(%arg0: i32) -> (i32, i32) {
    %c0_i32 = arith.constant 0 : i32
    %c0_i32_0 = arith.constant 0 : i32
    %c0_i32_1 = arith.constant 0 : i32
    return %c0_i32, %c0_i32_0 : i32, i32
  }
  func.func @transform_5(%arg0: i32) -> (i32, i32) {
    %c0_i32 = arith.constant 0 : i32
    %c0_i32_0 = arith.constant 0 : i32
    %c0_i32_1 = arith.constant 0 : i32
    return %c0_i32, %c0_i32_0 : i32, i32
  }
  func.func @transform_6(%arg0: i32) -> (i32, i32) {
    %c0_i32 = arith.constant 0 : i32
    %c0_i32_0 = arith.constant 0 : i32
    return %arg0, %c0_i32 : i32, i32
  }
}

</mosaic_0001>

<sc_bundles>
// kernel: kernel.4.cloned.1.call-start
scs
__scs_entry_jumppad:
0x0: {  	(pc) =	sbr.rel $0x88, $3  }
0x1: {  	(tag) =	ssettag $0x0;
	lr =	simm.s32 $0x1  }
0x2: {  	[smem:$0x3F9B] =	sst lr;
	_ =	strace $0xD0000000  }
0x3: {  	_ = 	snop  }
0x4: {  	_ = 	snop  }
0x5: {  	_ = 	snop  }
0x6: {  	_ = 	snop  }
0x7: {  	_ = 	snop  }
__scs_overlays_trampoline_lowered:
0x8: {  	[smem:$0x3FAA] =	sst s0  }
0x9: {  	[smem:$0x3FAB] =	sst s1  }
0xa: {  	[smem:$0x3FAC] =	sst s2  }
0xb: {  	[smem:$0x3FAD] =	sst s3  }
0xc: {  	[smem:$0x3FAE] =	sst s4  }
0xd: {  	[smem:$0x3FAF] =	sst s5  }
0xe: {  	[smem:$0x3FB0] =	sst s6  }
0xf: {  	[smem:$0x3FB1] =	sst s7  }
0x10: {  	[smem:$0x3FB2] =	sst s8  }
0x11: {  	[smem:$0x3FB3] =	sst s9;
	s0 =	simm.s32 @!p0 $0x0  }
0x12: {  	s1 =	sld [smem:$0x3F99];
	s0 =	simm.s32 @p0 $0x1  }
0x13: {  	[smem:$0x3FB4] =	sst s0;
	s0 =	simm.s32 @!p1 $0x0  }
0x14: {  	s2 =	sld [smem:$0x3F98];
	s0 =	simm.s32 @p1 $0x1  }
0x15: {  	[smem:$0x3FB5] =	sst s0;
	s0 =	simm.s32 @!p2 $0x0  }
0x16: {  	s3 =	sld [smem:$0x3FDB];
	s0 =	simm.s32 @p2 $0x1  }
0x17: {  	s4 =	simm.s32 $0x1BF5;
	[smem:$0x3FB7] =	sst s0  }
0x18: {  	s0 =	sld [smem:$0x3F9A];
	_ =	swait.ge [sflag:s4], $0x0  }
0x19: {  	s7 =	sld [smem:$0x3F9B]  }
0x1a: {  	s8 =	sadd.s32 $0xFFFFE003, lr  }
0x1b: {  	s9 =	sadd.s32 $0xFFFFFEF7, lr;
	s5 =	simm.s32 $0xFFFFFFFF;
	p2 =	slt.u32 s8, $0xFFFFF086  }
0x1c: {  	p1 =	slt.u32 s9, $0xF7A;
	s5 =	simm.s32 @!p2 $0x0  }
0x1d: {  	s5 =	simm.s32 @p1 $0x1;
	p0 =	seq.s32 s7, s2  }
0x1e: {  	s7 =	smul.u32 @!p0 $0xF7A, s2;
	p2 =	seq.s32 @!p0 s5, $0x0  }
0x1f: {  	s9 =	smul.u32 $0xF7A, s1;
	s8 =	simm.s32 @!p0 $0x1BF5;
	p2 =	por !p2, p0  }
0x20: {  	[sflag:s8] =	ssyncset.s32 @!p0 $0xFFFFF086;
	s6 =	sadd.s32 @!p0 s3, s7;
	s7 =	simm.s32 @!p0 $0x108  }
0x21: {  	s3 =	sadd.s32 s3, s9;
	s6 =	sadd.s32 @!p0 $0x88, s6;
	s7 =	simm.s32 @p2 $0x1082  }
0x22: {  	[simem:s7], [sflag:s8] =	dma.local @!p0 [hbm:s6], $0xF7A  }
0x23: {  	s9 =	sor.u32 $0xD0000000, s2;
	s6 =	simm.s32 $0x108;
	_ =	swait.ge @!p0 [sflag:s8], $0x0  }
0x24: {  	s3 =	sadd.s32 $0x88, s3;
	s6 =	simm.s32 @!p1 $0x1082;
	[sflag:s4] =	ssyncset.s32 $0xFFFFF086  }
0x25: {  	[simem:s6], [sflag:s4] =	dma.local [hbm:s3], $0xF7A  }
0x26: {  	[smem:$0x3F9B] =	sst s1;
	(tag) =	ssettag s2;
	_ =	strace s9  }
0x27: {  	s1 =	sld [smem:$0x3FAB]  }
0x28: {  	s2 =	sld [smem:$0x3FAC]  }
0x29: {  	s4 =	sld [smem:$0x3FAE]  }
0x2a: {  	p0 =	seq.s32 s5, $0x0;
	s5 =	sld [smem:$0x3FAF]  }
0x2b: {  	s6 =	sld [smem:$0x3FB0]  }
0x2c: {  	s7 =	sld [smem:$0x3FB1]  }
0x2d: {  	s3 =	simm.s32 $0x108;
	s8 =	sld [smem:$0x3FB2]  }
0x2e: {  	s3 =	simm.s32 @!p0 $0x1082;
	s9 =	sld [smem:$0x3FB3]  }
0x2f: {  	lr =	sadd.s32 s0, s3;
	s0 =	sld [smem:$0x3FAA]  }
0x30: {  	s3 =	sld [smem:$0x3FAD]  }
0x31: {  	[smem:$0x3FB6] =	sst s10  }
0x32: {  	s10 =	sld [smem:$0x3FB4];
	_ =	sdelay $0x3  }
0x33: {  	p0 =	seq.s32 s10, $0x1;
	s10 =	sld [smem:$0x3FB6];
	_ =	sdelay $0x3  }
0x34: {  	[smem:$0x3FB6] =	sst s10  }
0x35: {  	s10 =	sld [smem:$0x3FB5];
	_ =	sdelay $0x3  }
0x36: {  	p1 =	seq.s32 s10, $0x1;
	s10 =	sld [smem:$0x3FB6];
	_ =	sdelay $0x3  }
0x37: {  	[smem:$0x3FB6] =	sst s10  }
0x38: {  	s10 =	sld [smem:$0x3FB7]  }
0x39: {  	_ = 	snop;
	(pc) =	sbr.ind lr, $3  }
0x3a: {  	_ = 	snop  }
0x3b: {  	_ = 	snop  }
0x3c: {  	p2 =	seq.s32 s10, $0x1;
	s10 =	sld [smem:$0x3FB6]  }
0x3d: {  	_ =	shalt  }
0x3e: {  	_ =	shalt  }
0x3f: {  	_ =	shalt  }
0x40: {  	_ =	shalt  }
0x41: {  	_ =	shalt  }
0x42: {  	_ =	shalt  }
0x43: {  	_ =	shalt  }
0x44: {  	_ =	shalt  }
0x45: {  	_ =	shalt  }
0x46: {  	_ =	shalt  }
0x47: {  	_ =	shalt  }
0x48: {  	_ =	shalt  }
0x49: {  	_ =	shalt  }
0x4a: {  	_ =	shalt  }
0x4b: {  	_ =	shalt  }
0x4c: {  	_ =	shalt  }
0x4d: {  	_ =	shalt  }
0x4e: {  	_ =	shalt  }
0x4f: {  	_ =	shalt  }
0x50: {  	_ =	shalt  }
0x51: {  	_ =	shalt  }
0x52: {  	_ =	shalt  }
0x53: {  	_ =	shalt  }
0x54: {  	_ =	shalt  }
0x55: {  	_ =	shalt  }
0x56: {  	_ =	shalt  }
0x57: {  	_ =	shalt  }
0x58: {  	_ =	shalt  }
0x59: {  	_ =	shalt  }
0x5a: {  	_ =	shalt  }
0x5b: {  	_ =	shalt  }
0x5c: {  	_ =	shalt  }
0x5d: {  	_ =	shalt  }
0x5e: {  	_ =	shalt  }
0x5f: {  	_ =	shalt  }
0x60: {  	_ =	shalt  }
0x61: {  	_ =	shalt  }
0x62: {  	_ =	shalt  }
0x63: {  	_ =	shalt  }
0x64: {  	_ =	shalt  }
0x65: {  	_ =	shalt  }
0x66: {  	_ =	shalt  }
0x67: {  	_ =	shalt  }
0x68: {  	_ =	shalt  }
0x69: {  	_ =	shalt  }
0x6a: {  	_ =	shalt  }
0x6b: {  	_ =	shalt  }
0x6c: {  	_ =	shalt  }
0x6d: {  	_ =	shalt  }
0x6e: {  	_ =	shalt  }
0x6f: {  	_ =	shalt  }
0x70: {  	_ =	shalt  }
0x71: {  	_ =	shalt  }
0x72: {  	_ =	shalt  }
0x73: {  	_ =	shalt  }
0x74: {  	_ =	shalt  }
0x75: {  	_ =	shalt  }
0x76: {  	_ =	shalt  }
0x77: {  	_ =	shalt  }
0x78: {  	_ =	shalt  }
0x79: {  	_ =	shalt  }
0x7a: {  	_ =	shalt  }
0x7b: {  	_ =	shalt  }
0x7c: {  	_ =	shalt  }
0x7d: {  	_ =	shalt  }
0x7e: {  	_ =	shalt  }
0x7f: {  	_ =	shalt  }
0x80: {  	_ =	shalt  }
0x81: {  	_ =	shalt  }
0x82: {  	_ =	shalt  }
0x83: {  	_ =	shalt  }
0x84: {  	_ =	shalt  }
0x85: {  	_ =	shalt  }
0x86: {  	_ =	shalt  }
0x87: {  	_ =	shalt  }
.Lfunc_end0:
.L_simem_size_0:
called_computation.2_lowered:
.L_overlay_start_0:
0x88: {  	s2 =	sld [smem:$0x3FD9]  }
0x89: {  	s3 =	sld [smem:$0x3FFE];
	_ =	sdelay $0x1  }
0x8a: {  	s1 =	srdreg.scid  }
0x8b: {  	s0 =	sand.u32 $0x1, s1  }
0x8c: {  	s17 =	sshll.u32 s0, $0xA;
	s2 =	sadd.s32 s3, s2  }
0x8d: {  	s2 =	sadd.s32 s2, s17  }
0x8e: {  	[smem:$0x3FC2] =	sst s2  }
0x8f: {  	_ = 	snop  }
0x90: {  	s2 =	sld [smem:$0x3FD0];
	(tm) =	ssettm $0x1  }
0x91: {  	s18 =	sld [smem:$0x3FFB];
	_ =	sdelay $0x3  }
0x92: {  	_ =	strace s18  }
0x93: {  	s3 =	sld [smem:$0x3FFC];
	_ =	sdelay $0x3  }
0x94: {  	_ =	strace s3  }
0x95: {  	s3 =	sld [smem:$0x3FFD];
	_ =	sdelay $0x3  }
0x96: {  	_ =	strace s3  }
0x97: {  	_ =	strace $0x8FFFFFFF  }
0x98: {  	s19 =	sld [smem:$0x3FDB];
	_ =	sdelay $0x1  }
0x99: {  	s4 =	simm.s32 $_scs_section_size  }
0x9a: {  	s5 =	simm.s32 $_size__tile_overlayer_lowered;
	s6 =	simm.s32 $_tile_overlayer_lowered  }
0x9b: {  	s22 =	simm.s32 $0x1BFF;
	s21 =	sshll.u32 s6, $0x1;
	s3 =	sadd.s32 s4, s19  }
0x9c: {  	s7 =	simm.s32 $0x0;
	s20 =	sshll.u32 s5, $0x1;
	s5 =	sadd.s32 s21, s3  }
0x9d: {  	[timem:s7], [sflag:s22] =	dma.local [hbm:s5], s20  }
0x9e: {  	_ =	swait.ge [sflag:s22], s20  }
0x9f: {  	s4 =	ssub.s32 $0x0, s20;
	[sflag:s22] =	ssyncset.done $0x0  }
0xa0: {  	[sflag:s22] =	ssyncadd.s32 s4;
	_ =	sdelay $0x1  }
0xa1: {  	s23 =	simm.s32 $0x1B8B  }
0xa2: {  	_ =	swait.ge [sflag:s23], $0x1  }
0xa3: {  	[sflag:s23] =	ssyncset.done $0x0  }
0xa4: {  	s25 =	simm.s32 $0x1B8E;
	s24 =	sld [smem:$0x3FFE];
	[sflag:s23] =	ssyncadd.s32 $0xFFFFFFFF  }
0xa5: {  	s26 =	simm.s32 $execute0_lowered;
	[smem:$0x3FD2] =	sst s25  }
0xa6: {  	s5 =	sshll.u32 s26, $0x1;
	_ =	strace $0x80000049;
	[dreg:$0x1] =	wrdreg $0xFFFFFFFF  }
0xa7: {  	s28 =	simm.s32 $_size_execute0_lowered;
	s3 =	sadd.s32 s3, s5;
	[dreg:$0x0] =	wrdreg $0x0  }
0xa8: {  	s5 =	sshll.u32 s28, $0x1;
	[dreg:$0x2] =	wrdreg s3  }
0xa9: {  	[dreg:$0x3] =	wrdreg s5  }
0xaa: {  	[dreg:$0x4] =	wrdreg $0xC0  }
0xab: {  	_ =	task [dreg:s7], $0x5FFFF  }
0xac: {  	[dreg:$0x1] =	wrdreg $0xFFFFFFFF  }
0xad: {  	[dreg:$0x0] =	wrdreg $0x60  }
0xae: {  	[dreg:$0x2] =	wrdreg s24  }
0xaf: {  	[dreg:$0x3] =	wrdreg s2  }
0xb0: {  	[dreg:$0x4] =	wrdreg $0x9  }
0xb1: {  	_ =	task.clear_ibuf [dreg:s7], $0x5FFFF;
	_ =	strace $0x90000049  }
0xb2: {  	s29 =	simm.s32 $0x9;
	_ =	strace $0x8000004B  }
0xb3: {  	_ =	swait.ge [sflag:s29], $0x1  }
0xb4: {  	[sflag:s29] =	ssyncadd.s32 $0xFFFFFFFF  }
0xb5: {  	_ =	strace $0x9000004B  }
0xb6: {  	_ =	sfence  }
0xb7: {  	s30 =	sld [smem:$0x0];
	_ =	sdelay $0x2  }
0xb8: {  	s31 =	sshll.u32 s1, $0xD;
	s1 =	sshrl.u32 s1, $0x2  }
0xb9: {  	s3 =	sand.u32 $0x4000, s31;
	s1 =	sadd.s32 s1, s30  }
0xba: {  	s0 =	sor.u32 s3, s0;
	s1 =	sshll.u32 s1, $0x11  }
0xbb: {  	s0 =	sor.u32 s1, s0  }
0xbc: {  	s0 =	sadd.s32 $0x8F2B, s0  }
0xbd: {  	[sflag:s0] =	ssyncadd.remote.s32 $0x1  }
0xbe: {  	_ =	sfence.sel $0xFFFF  }
0xbf: {  	[dreg:$0x0] =	wrdreg $0xFFFFFFFF;
	(pc) =	sbr.abs _section_cstart, $3  }
0xc0: {  	[dreg:$0x1] =	wrdreg $0xFFFFFFFF  }
0xc1: {  	_ =	task.clear_ibuf [dreg:s7], $0x2FFFF;
	_ =	strace $0x9FFFFFFF  }
0xc2: {  	(tm) =	ssettm $0x7FFFFFFF  }
0xc3: {  	_ =	shalt  }
tec
execute0_lowered:
.L_overlay_start_1:
0x0: {  	(tag) =	ssettag $0x1  }
0x1: {  	s0 =	rddreg [dreg:$0x0]  }
0x2: {  	s1 =	rddreg [dreg:$0x1]  }
0x3: {  	s8 =	stileid.u32;
	s3 =	srdreg.scid  }
0x4: {  	s2 =	simm.s32 $0x0;
	s25 =	simm.s32 $0x1680;
	s26 =	simm.s32 $0x100  }
0x5: {  	s31 =	simm.s32 $0x2680;
	s10 =	simm.s32 $0x3680;
	s11 =	simm.s32 $0x200  }
0x6: {  	s12 =	simm.s32 $0x4680;
	s13 =	simm.s32 $0x280;
	s14 =	simm.s32 $0x5680  }
0x7: {  	s15 =	simm.s32 $0x300;
	s16 =	simm.s32 $0x6680;
	s17 =	simm.s32 $0x380  }
0x8: {  	s18 =	simm.s32 $0x7680;
	s19 =	simm.s32 $0x400;
	s20 =	simm.s32 $0x8680  }
0x9: {  	s21 =	simm.s32 $0x480;
	s22 =	simm.s32 $0x9680;
	s23 =	simm.s32 $0x500  }
0xa: {  	s28 =	simm.s32 $0x600;
	s29 =	simm.s32 $0xC680;
	s30 =	simm.s32 $0x1  }
0xb: {  	s4 =	smul.u32 $0x145000, s8;
	s5 =	sand.u32 $0x1, s3;
	[smem:$0x7FF] =	sst s2  }
0xc: {  	s8 =	smul.u32 $0xA280, s8;
	_ =	strace $0x8000004A;
	[dreg:$0x4] =	wrdreg s25  }
0xd: {  	s3 =	sadd.s32 $0x27AFA00, s0;
	s6 =	smul.u32 $0xA2800, s5;
	[dreg:$0x5] =	wrdreg s26  }
0xe: {  	s7 =	ssub.s32 $0x2, s5;
	s5 =	smul.u32 $0x5140, s5;
	[dreg:$0x6] =	wrdreg s31  }
0xf: {  	s25 =	simm.s32 $0x580;
	s26 =	simm.s32 $0xB680;
	s9 =	sshrl.u32 s7, $0x1  }
0x10: {  	s0 =	sadd.s32 s4, s0;
	s1 =	sadd.s32 s8, s1;
	s8 =	simm.s32 $0x680  }
0x11: {  	s24 =	ssub.s32 s7, s9;
	s0 =	sadd.s32 s6, s0;
	s1 =	sadd.s32 s5, s1  }
0x12: {  	s6 =	simm.s32 $0x2;
	s4 =	smax.u32 s24, $0x1;
	[dreg:$0x3] =	wrdreg s1  }
0x13: {  	s7 =	simm.s32 $0x80;
	s0 =	sadd.s32 $0x3600, s0;
	[dreg:$0x7] =	wrdreg s4  }
0x14: {  	s24 =	simm.s32 $0xA680;
	s1 =	simm.s32 $0x0;
	[dreg:$0x8] =	wrdreg s0  }
.LBB2_1:
0x15: {  	s0 =	rddreg [dreg:$0x3]  }
0x16: {  	[dreg:$0x9] =	wrdreg s1;
	s0 =	sadd.s32 $0x0, s0  }
0x17: {  	[tilespmem:s2], [sflag:$0x2] =	stream.linear.gather [hbm4b:s0+s2], $0x680, $0x38;
	[tilespmem:$0xD680] =	vst v63  }
0x18: {  	_ =	swait.ge [sflag:s6], $0x680  }
0x19: {  	[sflag:s6] =	ssyncset.done $0x0  }
0x1a: {  	s5 =	rddreg [dreg:$0x6];
	[sflag:s6] =	ssyncadd.s32 $0xFFFFF980  }
0x1b: {  	[tilespmem:s8], [sflag:$0x1] =	stream.indirect.gather [hbm4b:s3+s7], $0x20, s2, s7, $0xb8;
	[tilespmem:$0xD680] =	vst v63  }
0x1c: {  	s9 =	rddreg [dreg:$0x4]  }
0x1d: {  	[tilespmem:s9], [sflag:$0x1] =	stream.indirect.gather [hbm4b:s3+s7], $0x20, s7, s7, $0xb8;
	[tilespmem:$0xD680] =	vst v63  }
0x1e: {  	s4 =	rddreg [dreg:$0x5]  }
0x1f: {  	[tilespmem:s5], [sflag:$0x1] =	stream.indirect.gather [hbm4b:s3+s7], $0x20, s4, s7, $0xb8;
	[tilespmem:$0xD680] =	vst v63  }
0x20: {  	s31 =	simm.s32 $0x180  }
0x21: {  	[tilespmem:s10], [sflag:$0x1] =	stream.indirect.gather [hbm4b:s3+s7], $0x20, s31, s7, $0xb8;
	[tilespmem:$0xD680] =	vst v63  }
0x22: {  	_ = 	snop  }
0x23: {  	[tilespmem:s12], [sflag:$0x1] =	stream.indirect.gather [hbm4b:s3+s7], $0x20, s11, s7, $0xb8;
	[tilespmem:$0xD680] =	vst v63  }
0x24: {  	_ = 	snop  }
0x25: {  	[tilespmem:s14], [sflag:$0x1] =	stream.indirect.gather [hbm4b:s3+s7], $0x20, s13, s7, $0xb8;
	[tilespmem:$0xD680] =	vst v63  }
0x26: {  	_ = 	snop  }
0x27: {  	[tilespmem:s16], [sflag:$0x1] =	stream.indirect.gather [hbm4b:s3+s7], $0x20, s15, s7, $0xb8;
	[tilespmem:$0xD680] =	vst v63  }
0x28: {  	_ = 	snop  }
0x29: {  	[tilespmem:s18], [sflag:$0x1] =	stream.indirect.gather [hbm4b:s3+s7], $0x20, s17, s7, $0xb8;
	[tilespmem:$0xD680] =	vst v63  }
0x2a: {  	_ = 	snop  }
0x2b: {  	[tilespmem:s20], [sflag:$0x1] =	stream.indirect.gather [hbm4b:s3+s7], $0x20, s19, s7, $0xb8;
	[tilespmem:$0xD680] =	vst v63  }
0x2c: {  	_ = 	snop  }
0x2d: {  	[tilespmem:s22], [sflag:$0x1] =	stream.indirect.gather [hbm4b:s3+s7], $0x20, s21, s7, $0xb8;
	[tilespmem:$0xD680] =	vst v63  }
0x2e: {  	_ = 	snop  }
0x2f: {  	[tilespmem:s24], [sflag:$0x1] =	stream.indirect.gather [hbm4b:s3+s7], $0x20, s23, s7, $0xb8;
	[tilespmem:$0xD680] =	vst v63  }
0x30: {  	_ = 	snop  }
0x31: {  	[tilespmem:s26], [sflag:$0x1] =	stream.indirect.gather [hbm4b:s3+s7], $0x20, s25, s7, $0xb8;
	[tilespmem:$0xD680] =	vst v63  }
0x32: {  	_ = 	snop  }
0x33: {  	[tilespmem:s29], [sflag:$0x1] =	stream.indirect.gather [hbm4b:s3+s7], $0x20, s28, s7, $0xb8;
	[tilespmem:$0xD680] =	vst v63  }
0x34: {  	_ =	swait.ge [sflag:s30], $0x1000  }
0x35: {  	[sflag:s30] =	ssyncset.done $0x0  }
0x36: {  	[sflag:s30] =	ssyncadd.s32 $0xFFFFF000  }
0x37: {  	_ =	swait.ge [sflag:s30], $0x1000  }
0x38: {  	[sflag:s30] =	ssyncset.done $0x0  }
0x39: {  	[sflag:s30] =	ssyncadd.s32 $0xFFFFF000  }
0x3a: {  	_ =	swait.ge [sflag:s30], $0x1000  }
0x3b: {  	[sflag:s30] =	ssyncset.done $0x0  }
0x3c: {  	[sflag:s30] =	ssyncadd.s32 $0xFFFFF000  }
0x3d: {  	_ =	swait.ge [sflag:s30], $0x1000  }
0x3e: {  	[sflag:s30] =	ssyncset.done $0x0  }
0x3f: {  	[sflag:s30] =	ssyncadd.s32 $0xFFFFF000  }
0x40: {  	_ =	swait.ge [sflag:s30], $0x1000  }
0x41: {  	[sflag:s30] =	ssyncset.done $0x0  }
0x42: {  	[sflag:s30] =	ssyncadd.s32 $0xFFFFF000  }
0x43: {  	_ =	swait.ge [sflag:s30], $0x1000  }
0x44: {  	[sflag:s30] =	ssyncset.done $0x0  }
0x45: {  	[sflag:s30] =	ssyncadd.s32 $0xFFFFF000  }
0x46: {  	_ =	swait.ge [sflag:s30], $0x1000  }
0x47: {  	[sflag:s30] =	ssyncset.done $0x0  }
0x48: {  	[sflag:s30] =	ssyncadd.s32 $0xFFFFF000  }
0x49: {  	_ =	swait.ge [sflag:s30], $0x1000  }
0x4a: {  	[sflag:s30] =	ssyncset.done $0x0  }
0x4b: {  	[sflag:s30] =	ssyncadd.s32 $0xFFFFF000  }
0x4c: {  	_ =	swait.ge [sflag:s30], $0x1000  }
0x4d: {  	[sflag:s30] =	ssyncset.done $0x0  }
0x4e: {  	[sflag:s30] =	ssyncadd.s32 $0xFFFFF000  }
0x4f: {  	_ =	swait.ge [sflag:s30], $0x1000  }
0x50: {  	[sflag:s30] =	ssyncset.done $0x0  }
0x51: {  	[sflag:s30] =	ssyncadd.s32 $0xFFFFF000  }
0x52: {  	_ =	swait.ge [sflag:s30], $0x1000  }
0x53: {  	[sflag:s30] =	ssyncset.done $0x0  }
0x54: {  	[sflag:s30] =	ssyncadd.s32 $0xFFFFF000  }
0x55: {  	_ =	swait.ge [sflag:s30], $0x1000  }
0x56: {  	[sflag:s30] =	ssyncset.done $0x0  }
0x57: {  	[sflag:s30] =	ssyncadd.s32 $0xFFFFF000  }
0x58: {  	_ =	swait.ge [sflag:s30], $0x1000  }
0x59: {  	[sflag:s30] =	ssyncset.done $0x0  }
0x5a: {  	s5 =	rddreg [dreg:$0x8];
	[sflag:s30] =	ssyncadd.s32 $0xFFFFF000  }
0x5b: {  	[hbm4b:s5+s2] =	stream.linear.scatter [tilespmem:s8], [sflag:$0x2], $0xD000, $0x38;
	[tilespmem:$0xD680] =	vst v63  }
0x5c: {  	s1 =	simm.s32 $0xD0;
	_ =	swait.ge [sflag:s6], $0xD000  }
0x5d: {  	s4 =	simm.s32 $0x1A0;
	s0 =	rddreg [dreg:$0x3];
	[sflag:s6] =	ssyncset.done $0x0  }
.LBB2_2:
0x5e: {  	[sflag:s6] =	ssyncadd.s32 $0xFFFF3000;
	s0 =	sadd.s32 s1, s0  }
0x5f: {  	[tilespmem:s2], [sflag:$0x2] =	stream.linear.gather [hbm4b:s0+s2], $0x680, $0x38;
	[tilespmem:$0xD680] =	vst v63  }
0x60: {  	_ =	swait.ge [sflag:s6], $0x680  }
0x61: {  	[sflag:s6] =	ssyncset.done $0x0  }
0x62: {  	s31 =	smov.u32 s4;
	s0 =	rddreg [dreg:$0x6];
	[sflag:s6] =	ssyncadd.s32 $0xFFFFF980  }
0x63: {  	[tilespmem:s8], [sflag:$0x1] =	stream.indirect.gather [hbm4b:s3+s7], $0x20, s2, s7, $0xb8;
	[tilespmem:$0xD680] =	vst v63  }
0x64: {  	s1 =	smov.u32 s31;
	s31 =	rddreg [dreg:$0x4]  }
0x65: {  	[tilespmem:s31], [sflag:$0x1] =	stream.indirect.gather [hbm4b:s3+s7], $0x20, s7, s7, $0xb8;
	[tilespmem:$0xD680] =	vst v63  }
0x66: {  	s9 =	rddreg [dreg:$0x5]  }
0x67: {  	[tilespmem:s0], [sflag:$0x1] =	stream.indirect.gather [hbm4b:s3+s7], $0x20, s9, s7, $0xb8;
	[tilespmem:$0xD680] =	vst v63  }
0x68: {  	s31 =	simm.s32 $0x180  }
0x69: {  	[tilespmem:s10], [sflag:$0x1] =	stream.indirect.gather [hbm4b:s3+s7], $0x20, s31, s7, $0xb8;
	[tilespmem:$0xD680] =	vst v63  }
0x6a: {  	_ = 	snop  }
0x6b: {  	[tilespmem:s12], [sflag:$0x1] =	stream.indirect.gather [hbm4b:s3+s7], $0x20, s11, s7, $0xb8;
	[tilespmem:$0xD680] =	vst v63  }
0x6c: {  	_ = 	snop  }
0x6d: {  	[tilespmem:s14], [sflag:$0x1] =	stream.indirect.gather [hbm4b:s3+s7], $0x20, s13, s7, $0xb8;
	[tilespmem:$0xD680] =	vst v63  }
0x6e: {  	_ = 	snop  }
0x6f: {  	[tilespmem:s16], [sflag:$0x1] =	stream.indirect.gather [hbm4b:s3+s7], $0x20, s15, s7, $0xb8;
	[tilespmem:$0xD680] =	vst v63  }
0x70: {  	_ = 	snop  }
0x71: {  	[tilespmem:s18], [sflag:$0x1] =	stream.indirect.gather [hbm4b:s3+s7], $0x20, s17, s7, $0xb8;
	[tilespmem:$0xD680] =	vst v63  }
0x72: {  	_ = 	snop  }
0x73: {  	[tilespmem:s20], [sflag:$0x1] =	stream.indirect.gather [hbm4b:s3+s7], $0x20, s19, s7, $0xb8;
	[tilespmem:$0xD680] =	vst v63  }
0x74: {  	_ = 	snop  }
0x75: {  	[tilespmem:s22], [sflag:$0x1] =	stream.indirect.gather [hbm4b:s3+s7], $0x20, s21, s7, $0xb8;
	[tilespmem:$0xD680] =	vst v63  }
0x76: {  	_ = 	snop  }
0x77: {  	[tilespmem:s24], [sflag:$0x1] =	stream.indirect.gather [hbm4b:s3+s7], $0x20, s23, s7, $0xb8;
	[tilespmem:$0xD680] =	vst v63  }
0x78: {  	_ = 	snop  }
0x79: {  	[tilespmem:s26], [sflag:$0x1] =	stream.indirect.gather [hbm4b:s3+s7], $0x20, s25, s7, $0xb8;
	[tilespmem:$0xD680] =	vst v63  }
0x7a: {  	_ = 	snop  }
0x7b: {  	[tilespmem:s29], [sflag:$0x1] =	stream.indirect.gather [hbm4b:s3+s7], $0x20, s28, s7, $0xb8;
	[tilespmem:$0xD680] =	vst v63  }
0x7c: {  	_ =	swait.ge [sflag:s30], $0x1000  }
0x7d: {  	[sflag:s30] =	ssyncset.done $0x0  }
0x7e: {  	[sflag:s30] =	ssyncadd.s32 $0xFFFFF000  }
0x7f: {  	_ =	swait.ge [sflag:s30], $0x1000  }
0x80: {  	[sflag:s30] =	ssyncset.done $0x0  }
0x81: {  	[sflag:s30] =	ssyncadd.s32 $0xFFFFF000  }
0x82: {  	_ =	swait.ge [sflag:s30], $0x1000  }
0x83: {  	[sflag:s30] =	ssyncset.done $0x0  }
0x84: {  	[sflag:s30] =	ssyncadd.s32 $0xFFFFF000  }
0x85: {  	_ =	swait.ge [sflag:s30], $0x1000  }
0x86: {  	[sflag:s30] =	ssyncset.done $0x0  }
0x87: {  	[sflag:s30] =	ssyncadd.s32 $0xFFFFF000  }
0x88: {  	_ =	swait.ge [sflag:s30], $0x1000  }
0x89: {  	[sflag:s30] =	ssyncset.done $0x0  }
0x8a: {  	[sflag:s30] =	ssyncadd.s32 $0xFFFFF000  }
0x8b: {  	_ =	swait.ge [sflag:s30], $0x1000  }
0x8c: {  	[sflag:s30] =	ssyncset.done $0x0  }
0x8d: {  	[sflag:s30] =	ssyncadd.s32 $0xFFFFF000  }
0x8e: {  	_ =	swait.ge [sflag:s30], $0x1000  }
0x8f: {  	[sflag:s30] =	ssyncset.done $0x0  }
0x90: {  	[sflag:s30] =	ssyncadd.s32 $0xFFFFF000  }
0x91: {  	_ =	swait.ge [sflag:s30], $0x1000  }
0x92: {  	[sflag:s30] =	ssyncset.done $0x0  }
0x93: {  	[sflag:s30] =	ssyncadd.s32 $0xFFFFF000  }
0x94: {  	_ =	swait.ge [sflag:s30], $0x1000  }
0x95: {  	[sflag:s30] =	ssyncset.done $0x0  }
0x96: {  	[sflag:s30] =	ssyncadd.s32 $0xFFFFF000  }
0x97: {  	_ =	swait.ge [sflag:s30], $0x1000  }
0x98: {  	[sflag:s30] =	ssyncset.done $0x0  }
0x99: {  	[sflag:s30] =	ssyncadd.s32 $0xFFFFF000  }
0x9a: {  	_ =	swait.ge [sflag:s30], $0x1000  }
0x9b: {  	[sflag:s30] =	ssyncset.done $0x0  }
0x9c: {  	[sflag:s30] =	ssyncadd.s32 $0xFFFFF000  }
0x9d: {  	_ =	swait.ge [sflag:s30], $0x1000  }
0x9e: {  	[sflag:s30] =	ssyncset.done $0x0  }
0x9f: {  	[sflag:s30] =	ssyncadd.s32 $0xFFFFF000  }
0xa0: {  	p0 =	sne.s32 s4, $0x5070;
	_ =	swait.ge [sflag:s30], $0x1000  }
.Ltmp0:
0xa1: {  	[sflag:s30] =	ssyncset.done $0x0;
	(pc) =	sbr.rel @p0 .LBB2_2-.Ltmp0, $4  }
0xa2: {  	s5 =	sadd.s32 $0x1A00, s5;
	[sflag:s30] =	ssyncadd.s32 $0xFFFFF000  }
0xa3: {  	[hbm4b:s5+s2] =	stream.linear.scatter [tilespmem:s8], [sflag:$0x2], $0xD000, $0x38;
	[tilespmem:$0xD680] =	vst v63  }
0xa4: {  	_ =	swait.ge [sflag:s6], $0xD000  }
0xa5: {  	s4 =	sadd.s32 $0xD0, s4;
	s0 =	rddreg [dreg:$0x3];
	[sflag:s6] =	ssyncset.done $0x0  }
0xa6: {  	[sflag:s6] =	ssyncadd.s32 $0xFFFF3000;
	s0 =	sadd.s32 s1, s0  }
0xa7: {  	[tilespmem:s2], [sflag:$0x2] =	stream.linear.gather [hbm4b:s0+s2], $0x680, $0x38;
	[tilespmem:$0xD680] =	vst v63  }
0xa8: {  	_ =	swait.ge [sflag:s6], $0x680  }
0xa9: {  	[sflag:s6] =	ssyncset.done $0x0  }
0xaa: {  	s9 =	rddreg [dreg:$0x6];
	[sflag:s6] =	ssyncadd.s32 $0xFFFFF980  }
0xab: {  	[tilespmem:s8], [sflag:$0x1] =	stream.indirect.gather [hbm4b:s3+s7], $0x20, s2, s7, $0xb8;
	[tilespmem:$0xD680] =	vst v63  }
0xac: {  	s31 =	rddreg [dreg:$0x4]  }
0xad: {  	[tilespmem:s31], [sflag:$0x1] =	stream.indirect.gather [hbm4b:s3+s7], $0x20, s7, s7, $0xb8;
	[tilespmem:$0xD680] =	vst v63  }
0xae: {  	s4 =	rddreg [dreg:$0x5]  }
0xaf: {  	[tilespmem:s9], [sflag:$0x1] =	stream.indirect.gather [hbm4b:s3+s7], $0x20, s4, s7, $0xb8;
	[tilespmem:$0xD680] =	vst v63  }
0xb0: {  	s4 =	simm.s32 $0x180  }
0xb1: {  	[tilespmem:s10], [sflag:$0x1] =	stream.indirect.gather [hbm4b:s3+s7], $0x20, s4, s7, $0xb8;
	[tilespmem:$0xD680] =	vst v63  }
0xb2: {  	_ = 	snop  }
0xb3: {  	[tilespmem:s12], [sflag:$0x1] =	stream.indirect.gather [hbm4b:s3+s7], $0x20, s11, s7, $0xb8;
	[tilespmem:$0xD680] =	vst v63  }
0xb4: {  	_ = 	snop  }
0xb5: {  	[tilespmem:s14], [sflag:$0x1] =	stream.indirect.gather [hbm4b:s3+s7], $0x20, s13, s7, $0xb8;
	[tilespmem:$0xD680] =	vst v63  }
0xb6: {  	_ = 	snop  }
0xb7: {  	[tilespmem:s16], [sflag:$0x1] =	stream.indirect.gather [hbm4b:s3+s7], $0x20, s15, s7, $0xb8;
	[tilespmem:$0xD680] =	vst v63  }
0xb8: {  	_ = 	snop  }
0xb9: {  	[tilespmem:s18], [sflag:$0x1] =	stream.indirect.gather [hbm4b:s3+s7], $0x20, s17, s7, $0xb8;
	[tilespmem:$0xD680] =	vst v63  }
0xba: {  	_ = 	snop  }
0xbb: {  	[tilespmem:s20], [sflag:$0x1] =	stream.indirect.gather [hbm4b:s3+s7], $0x20, s19, s7, $0xb8;
	[tilespmem:$0xD680] =	vst v63  }
0xbc: {  	_ = 	snop  }
0xbd: {  	[tilespmem:s22], [sflag:$0x1] =	stream.indirect.gather [hbm4b:s3+s7], $0x20, s21, s7, $0xb8;
	[tilespmem:$0xD680] =	vst v63  }
0xbe: {  	_ = 	snop  }
0xbf: {  	[tilespmem:s24], [sflag:$0x1] =	stream.indirect.gather [hbm4b:s3+s7], $0x20, s23, s7, $0xb8;
	[tilespmem:$0xD680] =	vst v63  }
0xc0: {  	_ = 	snop  }
0xc1: {  	[tilespmem:s26], [sflag:$0x1] =	stream.indirect.gather [hbm4b:s3+s7], $0x20, s25, s7, $0xb8;
	[tilespmem:$0xD680] =	vst v63  }
0xc2: {  	_ = 	snop  }
0xc3: {  	[tilespmem:s29], [sflag:$0x1] =	stream.indirect.gather [hbm4b:s3+s7], $0x20, s28, s7, $0xb8;
	[tilespmem:$0xD680] =	vst v63  }
0xc4: {  	_ =	swait.ge [sflag:s30], $0x1000  }
0xc5: {  	[sflag:s30] =	ssyncset.done $0x0  }
0xc6: {  	[sflag:s30] =	ssyncadd.s32 $0xFFFFF000  }
0xc7: {  	_ =	swait.ge [sflag:s30], $0x1000  }
0xc8: {  	[sflag:s30] =	ssyncset.done $0x0  }
0xc9: {  	[sflag:s30] =	ssyncadd.s32 $0xFFFFF000  }
0xca: {  	_ =	swait.ge [sflag:s30], $0x1000  }
0xcb: {  	[sflag:s30] =	ssyncset.done $0x0  }
0xcc: {  	[sflag:s30] =	ssyncadd.s32 $0xFFFFF000  }
0xcd: {  	_ =	swait.ge [sflag:s30], $0x1000  }
0xce: {  	[sflag:s30] =	ssyncset.done $0x0  }
0xcf: {  	[sflag:s30] =	ssyncadd.s32 $0xFFFFF000  }
0xd0: {  	_ =	swait.ge [sflag:s30], $0x1000  }
0xd1: {  	[sflag:s30] =	ssyncset.done $0x0  }
0xd2: {  	[sflag:s30] =	ssyncadd.s32 $0xFFFFF000  }
0xd3: {  	_ =	swait.ge [sflag:s30], $0x1000  }
0xd4: {  	[sflag:s30] =	ssyncset.done $0x0  }
0xd5: {  	[sflag:s30] =	ssyncadd.s32 $0xFFFFF000  }
0xd6: {  	_ =	swait.ge [sflag:s30], $0x1000  }
0xd7: {  	[sflag:s30] =	ssyncset.done $0x0  }
0xd8: {  	[sflag:s30] =	ssyncadd.s32 $0xFFFFF000  }
0xd9: {  	_ =	swait.ge [sflag:s30], $0x1000  }
0xda: {  	[sflag:s30] =	ssyncset.done $0x0  }
0xdb: {  	[sflag:s30] =	ssyncadd.s32 $0xFFFFF000  }
0xdc: {  	_ =	swait.ge [sflag:s30], $0x1000  }
0xdd: {  	[sflag:s30] =	ssyncset.done $0x0  }
0xde: {  	[sflag:s30] =	ssyncadd.s32 $0xFFFFF000  }
0xdf: {  	_ =	swait.ge [sflag:s30], $0x1000  }
0xe0: {  	[sflag:s30] =	ssyncset.done $0x0  }
0xe1: {  	[sflag:s30] =	ssyncadd.s32 $0xFFFFF000  }
0xe2: {  	_ =	swait.ge [sflag:s30], $0x1000  }
0xe3: {  	[sflag:s30] =	ssyncset.done $0x0  }
0xe4: {  	[sflag:s30] =	ssyncadd.s32 $0xFFFFF000  }
0xe5: {  	_ =	swait.ge [sflag:s30], $0x1000  }
0xe6: {  	[sflag:s30] =	ssyncset.done $0x0  }
0xe7: {  	[sflag:s30] =	ssyncadd.s32 $0xFFFFF000  }
0xe8: {  	_ =	swait.ge [sflag:s30], $0x1000  }
0xe9: {  	[sflag:s30] =	ssyncset.done $0x0  }
0xea: {  	s5 =	sadd.s32 $0x1A00, s5;
	[sflag:s30] =	ssyncadd.s32 $0xFFFFF000  }
0xeb: {  	[hbm4b:s5+s2] =	stream.linear.scatter [tilespmem:s8], [sflag:$0x2], $0xD000, $0x38;
	[tilespmem:$0xD680] =	vst v63  }
0xec: {  	_ =	swait.ge [sflag:s6], $0xD000  }
0xed: {  	s9 =	rddreg [dreg:$0x9]  }
0xee: {  	s31 =	rddreg [dreg:$0x7];
	s1 =	sadd.s32 $0x1, s9  }
0xef: {  	p0 =	sne.s32 s1, s31  }
.Ltmp1:
0xf0: {  	_ = 	snop;
	(pc) =	sbr.rel @p0 .LBB2_1-.Ltmp1, $3  }
0xf1: {  	_ =	sdelay $0x1  }
0xf2: {  	[sflag:s6] =	ssyncset.done $0x0  }
0xf3: {  	[sflag:s6] =	ssyncadd.s32 $0xFFFF3000  }
0xf4: {  	_ =	sfence.sel $0x180000  }
0xf5: {  	[bflag:$0x0] =	sbarrier.arrive $0xFFFF  }
0xf6: {  	_ =	strace $0x9000004A  }
0xf7: {  	s0 =	stileid.u32;
	[bflag:$0x2] =	sbarrier.arrive $0xFFFF  }
0xf8: {  	p0 =	sne.s32 s0, $0x0;
	s0 =	rddreg [dreg:$0x2]  }
0xf9: {  	s0 =	sadd.s32 @!p0 $0x100000, s0  }
0xfa: {  	[sflag:s0] =	ssyncadd.tile.s32 @!p0 $0x1;
	_ =	shalt  }
.Lfunc_end2:
_tile_overlayer_lowered:
.L_overlay_start_2:
0xfb: {  	(tag) =	ssettag $0x2  }
0xfc: {  	s0 =	rddreg [dreg:$0x0];
	s2 =	stileid.u32  }
0xfd: {  	s1 =	rddreg [dreg:$0x1];
	p0 =	sne.s32 s2, $0x0  }
0xfe: {  	s3 =	rddreg [dreg:$0x2];
	[bflag:$0x3] =	sbarrier.arrive $0xFFFF;
	s2 =	simm.s32 @!p0 $0x1C02  }
0xff: {  	[timem:s3], [sflag:s2] =	dma.local @!p0 [hbm:s0], s1  }
0x100: {  	s0 =	simm.s32 @!p0 $0x2  }
0x101: {  	_ =	swait.ge @!p0 [sflag:s0], s1  }
0x102: {  	s1 =	ssub.s32 @!p0 $0x0, s1;
	[sflag:s0] =	ssyncset.done @!p0 $0x0  }
0x103: {  	[sflag:s0] =	ssyncadd.s32 @!p0 s1  }
0x104: {  	[bflag:$0x3] =	sbarrier.arrive $0xFFFF  }
0x105: {  	_ =	shalt  }

// kernel: sparse-core-data-format-call.1.cloned.1.call-start
scs
called_computation.1_lowered:
.L_overlay_start_0:
0x0: {  	s2 =	sld [smem:$0x3FD9]  }
0x1: {  	s3 =	sld [smem:$0x3FFE];
	_ =	sdelay $0x1  }
0x2: {  	s1 =	srdreg.scid  }
0x3: {  	s0 =	sand.u32 $0x1, s1  }
0x4: {  	s18 =	sshll.u32 s0, $0xA;
	s2 =	sadd.s32 s3, s2  }
0x5: {  	s2 =	sadd.s32 s2, s18  }
0x6: {  	[smem:$0x3FC2] =	sst s2  }
0x7: {  	_ = 	snop  }
0x8: {  	s2 =	sld [smem:$0x3FC6];
	(tm) =	ssettm $0x1  }
0x9: {  	s19 =	sld [smem:$0x3FFB];
	_ =	sdelay $0x3  }
0xa: {  	_ =	strace s19  }
0xb: {  	s3 =	sld [smem:$0x3FFC];
	_ =	sdelay $0x3  }
0xc: {  	_ =	strace s3  }
0xd: {  	s3 =	sld [smem:$0x3FFD];
	_ =	sdelay $0x3  }
0xe: {  	_ =	strace s3  }
0xf: {  	_ =	strace $0x8FFFFFFF  }
0x10: {  	s20 =	sld [smem:$0x3FDB];
	_ =	sdelay $0x1  }
0x11: {  	s4 =	simm.s32 $_scs_section_size  }
0x12: {  	s5 =	simm.s32 $_size__tile_overlayer_lowered;
	s6 =	simm.s32 $_tile_overlayer_lowered  }
0x13: {  	s23 =	simm.s32 $0x1BFF;
	s22 =	sshll.u32 s6, $0x1;
	s3 =	sadd.s32 s4, s20  }
0x14: {  	s7 =	simm.s32 $0x0;
	s21 =	sshll.u32 s5, $0x1;
	s5 =	sadd.s32 s22, s3  }
0x15: {  	[timem:s7], [sflag:s23] =	dma.local [hbm:s5], s21  }
0x16: {  	_ =	swait.ge [sflag:s23], s21  }
0x17: {  	s4 =	ssub.s32 $0x0, s21;
	[sflag:s23] =	ssyncset.done $0x0  }
0x18: {  	[sflag:s23] =	ssyncadd.s32 s4;
	_ =	sdelay $0x1  }
0x19: {  	s24 =	simm.s32 $0x1B8B  }
0x1a: {  	_ =	swait.ge [sflag:s24], $0x1  }
0x1b: {  	[sflag:s24] =	ssyncset.done $0x0  }
0x1c: {  	s26 =	simm.s32 $0x1B8E;
	s25 =	sld [smem:$0x3FFE];
	[sflag:s24] =	ssyncadd.s32 $0xFFFFFFFF  }
0x1d: {  	s27 =	simm.s32 $execute0_lowered;
	[smem:$0x3FD2] =	sst s26  }
0x1e: {  	s5 =	sshll.u32 s27, $0x1;
	_ =	strace $0x80000046;
	[dreg:$0x1] =	wrdreg $0xFFFFFFFF  }
0x1f: {  	s28 =	simm.s32 $_size_execute0_lowered;
	s3 =	sadd.s32 s3, s5;
	[dreg:$0x0] =	wrdreg $0x0  }
0x20: {  	s5 =	sshll.u32 s28, $0x1;
	[dreg:$0x2] =	wrdreg s3  }
0x21: {  	[dreg:$0x3] =	wrdreg s5  }
0x22: {  	[dreg:$0x4] =	wrdreg $0xC0  }
0x23: {  	_ =	task [dreg:s7], $0x5FFFF  }
0x24: {  	[dreg:$0x1] =	wrdreg $0xFFFFFFFF  }
0x25: {  	[dreg:$0x0] =	wrdreg $0x60  }
0x26: {  	[dreg:$0x2] =	wrdreg s2  }
0x27: {  	[dreg:$0x3] =	wrdreg s25  }
0x28: {  	[dreg:$0x4] =	wrdreg $0x9  }
0x29: {  	_ =	task.clear_ibuf [dreg:s7], $0x5FFFF;
	_ =	strace $0x90000046  }
0x2a: {  	s29 =	simm.s32 $0x9;
	_ =	strace $0x80000048  }
0x2b: {  	_ =	swait.ge [sflag:s29], $0x1  }
0x2c: {  	[sflag:s29] =	ssyncadd.s32 $0xFFFFFFFF  }
0x2d: {  	_ =	strace $0x90000048  }
0x2e: {  	_ =	sfence  }
0x2f: {  	s30 =	sld [smem:$0x0];
	_ =	sdelay $0x2  }
0x30: {  	s31 =	sshll.u32 s1, $0xD;
	s1 =	sshrl.u32 s1, $0x2  }
0x31: {  	s3 =	sand.u32 $0x4000, s31;
	s1 =	sadd.s32 s1, s30  }
0x32: {  	s0 =	sor.u32 s3, s0;
	s1 =	sshll.u32 s1, $0x11  }
0x33: {  	s0 =	sor.u32 s1, s0  }
0x34: {  	s0 =	sadd.s32 $0x8F2B, s0  }
0x35: {  	[sflag:s0] =	ssyncadd.remote.s32 $0x1  }
0x36: {  	_ =	sfence.sel $0xFFFF  }
0x37: {  	[dreg:$0x0] =	wrdreg $0xFFFFFFFF;
	(pc) =	sbr.abs _section_cstart, $3  }
0x38: {  	[dreg:$0x1] =	wrdreg $0xFFFFFFFF  }
0x39: {  	_ =	task.clear_ibuf [dreg:s7], $0x2FFFF;
	_ =	strace $0x9FFFFFFF  }
0x3a: {  	(tm) =	ssettm $0x7FFFFFFF  }
0x3b: {  	_ =	shalt  }
tec
execute0_lowered:
.L_overlay_start_1:
0x0: {  	(tag) =	ssettag $0x1  }
0x1: {  	s2 =	rddreg [dreg:$0x0]  }
0x2: {  	s0 =	srdreg.scid;
	s5 =	rddreg [dreg:$0x1]  }
0x3: {  	s31 =	simm.s32 $0x2;
	s16 =	simm.s32 $0x0;
	p0 =	por $0x0, $0x0  }
0x4: {  	s8 =	simm.s32 $0x80;
	s17 =	simm.s32 $0x0;
	s1 =	sshll.u32 s0, $0x4  }
0x5: {  	s18 =	simm.s32 $0x0;
	s0 =	stileid.u32;
	s1 =	sand.u32 $0x10, s1  }
0x6: {  	s9 =	simm.s32 $0x0;
	s10 =	simm.s32 $0x0;
	s1 =	sor.u32 s0, s1  }
0x7: {  	s11 =	simm.s32 $0x0;
	s13 =	simm.s32 $0x0;
	s3 =	sshll.u32 s1, $0x8  }
.Ltmp0:
0x8: {  	s14 =	simm.s32 $0x0;
	s4 =	ssub.s32 $0x18600, s3;
	(pc) =	sbr.rel .LBB1_1-.Ltmp0, $4  }
0x9: {  	s15 =	simm.s32 $0x0;
	s1 =	rddreg [dreg:$0x2];
	s6 =	sshrl.u32 s4, $0xD  }
0xa: {  	_ =	strace $0x80000047;
	s4 =	simm.s32 $0x1;
	s7 =	smul.u32 $0x1A, s6  }
0xb: {  	s5 =	sadd.s32 $0x3600, s5;
	s12 =	smov.u32 s3;
	[sflag:s4] =	ssyncpa.u1 $0x0  }
0xc: {  	[sflag:s31] =	ssyncpa.u1 $0x0;
	s6 =	sadd.s32 $0x1A, s7;
	s7 =	sadd.s32 $0x1B, s7  }
.LBB1_5:
0xd: {  	p1 =	slt.u32 s15, $0x2  }
0xe: {  	s19 =	smov.u32 s18;
	p2 =	sgt.s32 @!p1 s18, $0x19  }
0xf: {  	s20 =	sshra.s32 @!p1 s18, $0x1F;
	p3 =	sgt.s32 @!p1 s16, $0x185A0;
	p4 =	sgt.s32 @!p1 s17, $0x60  }
0x10: {  	s21 =	sshra.s32 @!p1 s17, $0x1F;
	p2 =	por !p2, p1;
	s18 =	sand.u32 @!p1 s20, s18  }
0x11: {  	p4 =	por !p4, p1;
	s20 =	smov.u32 s17;
	s19 =	simm.s32 @p2 $0x19  }
0x12: {  	s17 =	sand.u32 @!p1 s21, s17;
	s20 =	simm.s32 @p4 $0x60;
	s18 =	ssub.s32 @!p1 s19, s18  }
0x13: {  	p3 =	por !p3, p1;
	s17 =	ssub.s32 @!p1 s20, s17;
	s19 =	sadd.s32 @!p1 $0xFFFFFFE7, s18  }
0x14: {  	s20 =	sshra.s32 @!p1 s16, $0x1F;
	s18 =	ssub.s32 @!p1 $0x1A, s18;
	p2 =	sgt.s32 @!p1 s19, $0x0  }
0x15: {  	s19 =	smov.u32 s16;
	s16 =	sand.u32 @!p1 s20, s16;
	s20 =	sadd.s32 @!p1 $0xFFFFFFA0, s17  }
0x16: {  	s17 =	ssub.s32 @!p1 $0x80, s17;
	s19 =	simm.s32 @p3 $0x185A0;
	p2 =	por !p2, p1  }
0x17: {  	s18 =	simm.s32 @!p2 $0x0;
	s16 =	ssub.s32 @!p1 s19, s16;
	p2 =	sgt.s32 @!p1 s20, $0x1F  }
0x18: {  	s20 =	smov.u32 s13;
	s19 =	sadd.s32 @!p1 $0xFFFE7A60, s16;
	p2 =	por !p2, p1  }
0x19: {  	s16 =	ssub.s32 @!p1 $0x186A0, s16;
	s17 =	simm.s32 @!p2 $0x0;
	p2 =	sgt.s32 @!p1 s19, $0xFF  }
0x1a: {  	s19 =	sadd.s32 $0x2000, s12;
	p2 =	por !p2, p1;
	s17 =	smul.u32 @!p1 s18, s17  }
0x1b: {  	s18 =	sadd.s32 $0x20, s13;
	s16 =	simm.s32 @!p2 $0x0;
	p2 =	sgt.s32 s19, $0x1869F  }
0x1c: {  	s16 =	smul.u32 @!p1 s16, s17;
	s20 =	smov.u32 @p2 s18  }
0x1d: {  	s19 =	smov.u32 @p2 s3;
	s17 =	simm.s32 $0x1;
	p2 =	sgt.s32 s20, $0x1F  }
0x1e: {  	s17 =	simm.s32 @!p2 $0x0  }
0x1f: {  	p0 =	por !p0, !p0;
	s23 =	sadd.s32 s17, s14  }
0x20: {  	s21 =	simm.s32 @!p1 $0x2;
	s20 =	simm.s32 @p2 $0x0;
	p2 =	sgt.s32 s23, $0x19  }
0x21: {  	s18 =	smov.u32 s11;
	s23 =	simm.s32 @p2 $0x0;
	p2 =	sne.s32 s15, s7  }
.Ltmp1:
0x22: {  	s11 =	smov.u32 s14;
	s16 =	sand.u32 @!p1 $0x3FFFFFFF, s16;
	(pc) =	sbr.rel @!p2 .LBB1_6-.Ltmp1, $4  }
0x23: {  	_ =	swait.ge @!p1 [sflag:s21], s16;
	s22 =	ssub.s32 @!p1 $0x0, s16;
	s16 =	smov.u32 s9  }
0x24: {  	s17 =	smov.u32 s10;
	s9 =	smov.u32 s12;
	s10 =	smov.u32 s13  }
0x25: {  	s12 =	smov.u32 s19;
	s13 =	smov.u32 s20;
	[sflag:s21] =	ssyncset.done @!p1 $0x0  }
0x26: {  	s15 =	sadd.s32 $0x1, s15;
	[sflag:s21] =	ssyncadd.s32 @!p1 s22;
	s14 =	smov.u32 s23  }
.LBB1_1:
0x27: {  	p1 =	sge.u32 s15, s6  }
0x28: {  	s19 =	sshrl.u32 @!p1 s13, $0x3  }
0x29: {  	s20 =	sshll.u32 @!p1 s12, $0x3;
	s19 =	smul.u32 @!p1 $0xC3800, s19  }
0x2a: {  	s21 =	sshll.u32 @!p1 s13, $0x7;
	s20 =	sand.u32 @!p1 $0xFFFFFC00, s20  }
0x2b: {  	s19 =	sadd.s32 @!p1 s19, s20;
	s20 =	sand.u32 @!p1 $0x380, s21  }
0x2c: {  	s21 =	sand.u32 @!p1 $0x7F, s12;
	s19 =	sor.u32 @!p1 s20, s19  }
0x2d: {  	s20 =	sor.u32 @!p1 s21, s19  }
0x2e: {  	s21 =	smulhi.u32 @!p1 $0xA79C7B17, s20  }
0x2f: {  	s19 =	smulhi.u32 @!p1 $0xA79C7B17, s19  }
0x30: {  	s21 =	sshrl.u32 @!p1 s21, $0x10  }
0x31: {  	s19 =	sshrl.u32 @!p1 s19, $0x10;
	s21 =	smul.u32 @!p1 $0x18700, s21  }
0x32: {  	s22 =	sxor.u32 @!p1 $0xFFFFFFFF, s15;
	s23 =	smul.u32 @!p1 $0x61C00, s14;
	s19 =	sand.u32 @!p1 $0x1F, s19  }
0x33: {  	s22 =	sshll.u32 @!p1 s22, $0xD;
	s19 =	smul.u32 @!p1 $0x30E0, s19;
	s20 =	ssub.s32 @!p1 s20, s21  }
0x34: {  	s21 =	sand.u32 @!p1 $0x2000, s22;
	s22 =	sadd.s32 @!p1 s2, s23;
	s23 =	sand.u32 @!p1 $0x7, s20  }
0x35: {  	s20 =	sshrl.u32 @!p1 s20, $0x3;
	s19 =	sadd.s32 @!p1 s19, s22;
	s22 =	sshll.u32 @!p1 s23, $0x12  }
0x36: {  	s19 =	sadd.s32 @!p1 s20, s19;
	s20 =	sor.u32 @!p1 $0x800, s22;
	s22 =	simm.s32 @!p1 $0xC3800  }
0x37: {  	[tilespmem:s21], [sflag:$0x1] =	stream.strided.gather @!p1 [hbm4b:s19+s20], $0x2000, s22, s20, $0x38;
	[tilespmem:$0x8200] =	vst v63  }
0x38: {  	p1 =	seq.s32 s15, $0x0  }
0x39: {  	p2 =	sge.u32 @!p1 s15, s7  }
0x3a: {  	p1 =	por p1, p2  }
.Ltmp2:
0x3b: {  	_ = 	snop;
	(pc) =	sbr.rel @p1 .LBB1_5-.Ltmp2, $1  }
0x3c: {  	_ =	sdelay $0x3  }
0x3d: {  	s21 =	simm.s32 $0x0  }
0x3e: {  	s22 =	sand.u32 $0x1800, s21;
	s23 =	sand.u32 $0x380, s21  }
0x3f: {  	s19 =	sand.u32 $0x1, s15;
	s23 =	sor.u32 s23, s22  }
0x40: {  	_ =	swait.ge [sflag:s4], $0x2000;
	s20 =	sshll.u32 s19, $0xD;
	s22 =	sand.u32 $0x1B00, s23  }
0x41: {  	[sflag:s4] =	ssyncset.done $0x0;
	s21 =	sand.u32 $0x80, s21;
	s22 =	sadd.s32 s22, s20  }
0x42: {  	[sflag:s4] =	ssyncadd.s32 $0xFFFFE000;
	s25 =	sadd.s32 s21, s22  }
0x43: {  	v4 =	vld [tilespmem:s25+$0x400]  }
0x44: {  	s24 =	simm.s32 $0x1;
	v5 =	vld [tilespmem:s25+$0x0]  }
0x45: {  	s24 =	simm.s32 @!p0 $0x0;
	v6 =	vld [tilespmem:s25+$0x10]  }
0x46: {  	v0 =	vmov s20;
	s31 =	smul.u32 $0x8400, s24;
	v7 =	vld [tilespmem:s25+$0x20]  }
0x47: {  	v9 =	vld [tilespmem:s25+$0x30]  }
0x48: {  	s21 =	sshrl.u32 s31, $0x2;
	v10 =	vld [tilespmem:s25+$0x40]  }
0x49: {  	s21 =	sor.u32 $0x4000, s21;
	v11 =	vld [tilespmem:s25+$0x50]  }
0x4a: {  	v8 =	vld [tilespmem:s25+$0x60];
	s22 =	sadd.s32 $0x0, s21  }
0x4b: {  	v1 =	vld.idx.msk [tilespmem:v0+s23+$0x410 ss:$0x1], $0xffff;
	[tilespmem:s22+$0x1080 ss:$0x21] =	vst.msk $0xffff, v4  }
0x4c: {  	v2 =	vld.idx.msk [tilespmem:v0+s23+$0x420 ss:$0x1], $0xffff;
	[tilespmem:s22+$0x0 ss:$0x21] =	vst.msk $0xffff, v5  }
0x4d: {  	v3 =	vld.idx.msk [tilespmem:v0+s23+$0x430 ss:$0x1], $0xffff;
	[tilespmem:s22+$0x210 ss:$0x21] =	vst.msk $0xffff, v6  }
0x4e: {  	s19 =	smul.u32 $0x8400, s19;
	[tilespmem:s22+$0x420 ss:$0x21] =	vst.msk $0xffff, v7;
	v7 =	vld [tilespmem:s25+$0x70]  }
0x4f: {  	s26 =	simm.s32 $0x80;
	s27 =	simm.s32 $0x8;
	[tilespmem:s22+$0x630 ss:$0x21] =	vst.msk $0xffff, v9;
	v4 =	vld.idx.msk [tilespmem:v0+s23+$0x440 ss:$0x1], $0xffff  }
0x50: {  	s29 =	sand.u32 $0x380, s26;
	s19 =	sshrl.u32 s19, $0x2;
	[tilespmem:s22+$0x840 ss:$0x21] =	vst.msk $0xffff, v10;
	v5 =	vld.idx.msk [tilespmem:v0+s23+$0x450 ss:$0x1], $0xffff;
	s25 =	simm.s32 $0x100  }
0x51: {  	s24 =	simm.s32 $0x4;
	s19 =	sor.u32 $0x4000, s19;
	[tilespmem:s22+$0xA50 ss:$0x21] =	vst.msk $0xffff, v11;
	v6 =	vld.idx.msk [tilespmem:v0+s23+$0x460 ss:$0x1], $0xffff;
	s28 =	sand.u32 $0x1800, s25  }
.LBB1_3:
0x52: {  	p1 =	sne.s32 s27, $0x7C;
	[tilespmem:s22+$0xC60 ss:$0x21] =	vst.msk $0xffff, v8;
	v8 =	vld.idx.msk [tilespmem:v0+s23+$0x470 ss:$0x1], $0xffff;
	s23 =	sor.u32 s29, s28  }
0x53: {  	s28 =	sand.u32 $0x1B00, s23;
	v9 =	vld.idx.msk [tilespmem:v0+s23+$0x410 ss:$0x1], $0xffff;
	[tilespmem:s22+$0xE70 ss:$0x21] =	vst.msk $0xffff, v7  }
0x54: {  	s29 =	sand.u32 $0x80, s26;
	s28 =	sadd.s32 s28, s20;
	v7 =	vld.idx.msk [tilespmem:v0+s23+$0x420 ss:$0x1], $0xffff;
	[tilespmem:s22+$0x1290 ss:$0x21] =	vst.msk $0xffff, v1  }
0x55: {  	s28 =	sadd.s32 s29, s28;
	v10 =	vld.idx.msk [tilespmem:v0+s23+$0x430 ss:$0x1], $0xffff;
	[tilespmem:s22+$0x14A0 ss:$0x21] =	vst.msk $0xffff, v2  }
0x56: {  	v11 =	vld [tilespmem:s28+$0x400];
	[tilespmem:s22+$0x16B0 ss:$0x21] =	vst.msk $0xffff, v3  }
0x57: {  	v12 =	vld [tilespmem:s28+$0x0];
	[tilespmem:s22+$0x18C0 ss:$0x21] =	vst.msk $0xffff, v4  }
0x58: {  	v4 =	vld [tilespmem:s28+$0x10];
	[tilespmem:s22+$0x1AD0 ss:$0x21] =	vst.msk $0xffff, v5  }
0x59: {  	s29 =	sshra.s32 s24, $0x2;
	s24 =	smov.u32 s27;
	v1 =	vmov v9;
	v5 =	vld [tilespmem:s28+$0x20];
	[tilespmem:s22+$0x1CE0 ss:$0x21] =	vst.msk $0xffff, v6  }
0x5a: {  	v2 =	vmov v7;
	v6 =	vld [tilespmem:s28+$0x30];
	[tilespmem:s22+$0x1EF0 ss:$0x21] =	vst.msk $0xffff, v8;
	s22 =	sadd.s32 s29, s21  }
0x5b: {  	v3 =	vmov v10;
	v9 =	vld [tilespmem:s28+$0x40];
	[tilespmem:s22+$0x1080 ss:$0x21] =	vst.msk $0xffff, v11  }
0x5c: {  	[tilespmem:s22+$0x0 ss:$0x21] =	vst.msk $0xffff, v12;
	v10 =	vld [tilespmem:s28+$0x50]  }
.Ltmp3:
0x5d: {  	[tilespmem:s22+$0x210 ss:$0x21] =	vst.msk $0xffff, v4;
	v8 =	vld [tilespmem:s28+$0x60];
	(pc) =	sbr.rel @p1 .LBB1_3-.Ltmp3, $4  }
0x5e: {  	[tilespmem:s22+$0x420 ss:$0x21] =	vst.msk $0xffff, v5;
	v7 =	vld [tilespmem:s28+$0x70]  }
0x5f: {  	[tilespmem:s22+$0x630 ss:$0x21] =	vst.msk $0xffff, v6;
	v4 =	vld.idx.msk [tilespmem:v0+s23+$0x440 ss:$0x1], $0xffff  }
0x60: {  	s26 =	sadd.s32 $0x80, s26;
	s25 =	sadd.s32 $0x100, s25;
	[tilespmem:s22+$0x840 ss:$0x21] =	vst.msk $0xffff, v9;
	v5 =	vld.idx.msk [tilespmem:v0+s23+$0x450 ss:$0x1], $0xffff  }
0x61: {  	s27 =	sadd.s32 $0x4, s27;
	s29 =	sand.u32 $0x380, s26;
	s28 =	sand.u32 $0x1800, s25;
	[tilespmem:s22+$0xA50 ss:$0x21] =	vst.msk $0xffff, v10;
	v6 =	vld.idx.msk [tilespmem:v0+s23+$0x460 ss:$0x1], $0xffff  }
0x62: {  	_ =	sdelay $0x3  }
0x63: {  	s25 =	sor.u32 s29, s28;
	v47 =	vld.idx.msk [tilespmem:v0+s23+$0x470 ss:$0x1], $0xffff  }
0x64: {  	[tilespmem:s22+$0xC60 ss:$0x21] =	vst.msk $0xffff, v8;
	v57 =	vld.idx.msk [tilespmem:v0+s25+$0x410 ss:$0x1], $0xffff  }
0x65: {  	[tilespmem:s22+$0x1290 ss:$0x21] =	vst.msk $0xffff, v1;
	v58 =	vld.idx.msk [tilespmem:v0+s25+$0x420 ss:$0x1], $0xffff  }
0x66: {  	[tilespmem:s22+$0x14A0 ss:$0x21] =	vst.msk $0xffff, v2;
	v59 =	vld.idx.msk [tilespmem:v0+s25+$0x430 ss:$0x1], $0xffff  }
0x67: {  	[tilespmem:s22+$0x16B0 ss:$0x21] =	vst.msk $0xffff, v3;
	v60 =	vld.idx.msk [tilespmem:v0+s25+$0x440 ss:$0x1], $0xffff  }
0x68: {  	s26 =	sand.u32 $0x80, s26;
	s27 =	sand.u32 $0x1B00, s25;
	[tilespmem:s22+$0xE70 ss:$0x21] =	vst.msk $0xffff, v7;
	v61 =	vld.idx.msk [tilespmem:v0+s25+$0x450 ss:$0x1], $0xffff  }
0x69: {  	s29 =	sshll.u32 s10, $0x3;
	s24 =	sshra.s32 s24, $0x2;
	v62 =	vld.idx.msk [tilespmem:v0+s25+$0x460 ss:$0x1], $0xffff;
	s20 =	sadd.s32 s27, s20;
	[tilespmem:s22+$0x18C0 ss:$0x21] =	vst.msk $0xffff, v4  }
0x6a: {  	p1 =	sgt.s32 s11, $0x19;
	s31 =	sand.u32 $0xFFFFFC00, s29;
	v63 =	vld.idx.msk [tilespmem:v0+s25+$0x470 ss:$0x1], $0xffff;
	s23 =	sadd.s32 s26, s20;
	[tilespmem:s22+$0x1AD0 ss:$0x21] =	vst.msk $0xffff, v5  }
0x6b: {  	p2 =	sgt.s32 s10, $0x60;
	s29 =	sshra.s32 s11, $0x1F;
	s25 =	smul.u32 $0x186A00, s11;
	v48 =	vld [tilespmem:s23+$0x400];
	[tilespmem:s22+$0x1CE0 ss:$0x21] =	vst.msk $0xffff, v6  }
0x6c: {  	s26 =	sshll.u32 s9, $0x7;
	s20 =	sadd.s32 s24, s21;
	s24 =	sand.u32 s29, s11;
	v49 =	vld [tilespmem:s23+$0x0];
	[tilespmem:s22+$0x1EF0 ss:$0x21] =	vst.msk $0xffff, v47  }
0x6d: {  	s29 =	sshra.s32 s9, $0x1F;
	v50 =	vld [tilespmem:s23+$0x10];
	s30 =	sand.u32 $0xFFFFFC00, s26;
	s28 =	sand.u32 $0x380, s26;
	[tilespmem:s20+$0x1290 ss:$0x21] =	vst.msk $0xffff, v57  }
0x6e: {  	v51 =	vld [tilespmem:s23+$0x20];
	s27 =	sadd.s32 s31, s30;
	s22 =	smov.u32 s11;
	s31 =	sshra.s32 s10, $0x1F;
	[tilespmem:s20+$0x14A0 ss:$0x21] =	vst.msk $0xffff, v58  }
0x6f: {  	v52 =	vld [tilespmem:s23+$0x30];
	s21 =	sor.u32 s28, s27;
	s22 =	simm.s32 @!p1 $0x19;
	s28 =	sand.u32 s31, s10;
	[tilespmem:s20+$0x16B0 ss:$0x21] =	vst.msk $0xffff, v59  }
0x70: {  	v53 =	vld [tilespmem:s23+$0x40];
	s27 =	smov.u32 s9;
	[tilespmem:s20+$0x18C0 ss:$0x21] =	vst.msk $0xffff, v60;
	s21 =	sshrl.u32 s21, $0x7;
	s22 =	ssub.s32 s22, s24  }
0x71: {  	v54 =	vld [tilespmem:s23+$0x50];
	[tilespmem:s20+$0x1AD0 ss:$0x21] =	vst.msk $0xffff, v61;
	s24 =	smov.u32 s10;
	s26 =	smulhi.u32 $0x14F8B59, s21;
	s30 =	sadd.s32 $0xFFFFFFE7, s22  }
0x72: {  	v55 =	vld [tilespmem:s23+$0x60];
	[tilespmem:s20+$0x1CE0 ss:$0x21] =	vst.msk $0xffff, v62;
	s24 =	simm.s32 @!p2 $0x60;
	p2 =	sgt.s32 s9, $0x185A0;
	s22 =	ssub.s32 $0x1A, s22  }
0x73: {  	v56 =	vld [tilespmem:s23+$0x70];
	[tilespmem:s20+$0x1EF0 ss:$0x21] =	vst.msk $0xffff, v63;
	p1 =	sgt.s32 s30, $0x0;
	s23 =	ssub.s32 s24, s28;
	s27 =	simm.s32 @!p2 $0x185A0  }
0x74: {  	[tilespmem:s20+$0x1080 ss:$0x21] =	vst.msk $0xffff, v48;
	s24 =	sand.u32 s29, s9;
	s28 =	sand.u32 $0x7, s10;
	s26 =	sshrl.u32 s26, $0x9  }
0x75: {  	[tilespmem:s20+$0x0 ss:$0x21] =	vst.msk $0xffff, v49;
	s24 =	ssub.s32 s27, s24;
	s30 =	sadd.s32 $0xFFFFFFA0, s23;
	s22 =	simm.s32 @p1 $0x0  }
0x76: {  	[tilespmem:s20+$0x210 ss:$0x21] =	vst.msk $0xffff, v50;
	s23 =	ssub.s32 $0x80, s23;
	s27 =	sshrl.u32 s10, $0x3;
	p1 =	sgt.s32 s30, $0x1F  }
0x77: {  	[tilespmem:s20+$0x420 ss:$0x21] =	vst.msk $0xffff, v51;
	s26 =	smul.u32 $0x186A0, s26;
	s31 =	sadd.s32 $0xFFFE7A60, s24;
	s23 =	simm.s32 @p1 $0x0  }
0x78: {  	[tilespmem:s20+$0x630 ss:$0x21] =	vst.msk $0xffff, v52;
	s24 =	ssub.s32 $0x186A0, s24;
	p1 =	sgt.s32 s31, $0xFF;
	s22 =	smul.u32 s22, s23  }
.Ltmp4:
0x79: {  	[tilespmem:s20+$0x840 ss:$0x21] =	vst.msk $0xffff, v53;
	s24 =	simm.s32 @p1 $0x0;
	s21 =	ssub.s32 s21, s26;
	(pc) =	sbr.rel .LBB1_5-.Ltmp4, $4  }
0x7a: {  	[tilespmem:s20+$0xA50 ss:$0x21] =	vst.msk $0xffff, v54;
	s23 =	sadd.s32 s5, s25;
	s22 =	smul.u32 s24, s22;
	s24 =	sand.u32 $0xF, s27  }
0x7b: {  	[tilespmem:s20+$0xC60 ss:$0x21] =	vst.msk $0xffff, v55;
	s29 =	sshll.u32 s28, $0x12;
	s21 =	sshll.u32 s21, $0x4;
	s23 =	sadd.s32 s24, s23  }
0x7c: {  	[tilespmem:s20+$0xE70 ss:$0x21] =	vst.msk $0xffff, v56;
	s31 =	sor.u32 $0x20, s29;
	s30 =	sand.u32 $0x3FFFFFFF, s22;
	s21 =	sadd.s32 s21, s23  }
0x7d: {  	[hbm4b:s21+s31] =	stream.strided.scatter [tilespmem:s19], [sflag:$0x2], s30, s8, s31, $0x10;
	[tilespmem:$0x8200] =	vst v63  }
.LBB1_6:
0x7e: {  	_ =	sfence.sel $0x180000  }
0x7f: {  	s2 =	simm.s32 $0x1;
	[bflag:$0x0] =	sbarrier.arrive $0xFFFF  }
0x80: {  	s31 =	simm.s32 $0x2;
	[sflag:s2] =	ssyncpa.u1 $0x1  }
0x81: {  	[sflag:s31] =	ssyncpa.u1 $0x1  }
0x82: {  	p0 =	sne.s32 s0, $0x0;
	_ =	strace $0x90000047  }
0x83: {  	s0 =	sadd.s32 @!p0 $0x100000, s1;
	[bflag:$0x2] =	sbarrier.arrive $0xFFFF  }
0x84: {  	[sflag:s0] =	ssyncadd.tile.s32 @!p0 $0x1;
	_ =	shalt  }
.Lfunc_end1:
_tile_overlayer_lowered:
.L_overlay_start_2:
0x85: {  	(tag) =	ssettag $0x2  }
0x86: {  	s0 =	rddreg [dreg:$0x0];
	s2 =	stileid.u32  }
0x87: {  	s1 =	rddreg [dreg:$0x1];
	p0 =	sne.s32 s2, $0x0  }
0x88: {  	s3 =	rddreg [dreg:$0x2];
	[bflag:$0x3] =	sbarrier.arrive $0xFFFF;
	s2 =	simm.s32 @!p0 $0x1C01  }
0x89: {  	[timem:s3], [sflag:s2] =	dma.local @!p0 [hbm:s0], s1  }
0x8a: {  	s0 =	simm.s32 @!p0 $0x1  }
0x8b: {  	_ =	swait.ge @!p0 [sflag:s0], s1  }
0x8c: {  	s1 =	ssub.s32 @!p0 $0x0, s1;
	[sflag:s0] =	ssyncset.done @!p0 $0x0  }
0x8d: {  	[sflag:s0] =	ssyncadd.s32 @!p0 s1  }
0x8e: {  	[bflag:$0x3] =	sbarrier.arrive $0xFFFF  }
0x8f: {  	_ =	shalt  }

// kernel: sparse-core-data-format-call.cloned.1.call-start
scs
called_computation_lowered:
.L_overlay_start_0:
0x0: {  	s2 =	sld [smem:$0x3FD9]  }
0x1: {  	s3 =	sld [smem:$0x3FFE];
	_ =	sdelay $0x1  }
0x2: {  	s1 =	srdreg.scid  }
0x3: {  	s0 =	sand.u32 $0x1, s1  }
0x4: {  	s18 =	sshll.u32 s0, $0xA;
	s2 =	sadd.s32 s3, s2  }
0x5: {  	s2 =	sadd.s32 s2, s18  }
0x6: {  	[smem:$0x3FC2] =	sst s2  }
0x7: {  	_ = 	snop  }
0x8: {  	s2 =	sld [smem:$0x3FD0];
	(tm) =	ssettm $0x1  }
0x9: {  	s19 =	sld [smem:$0x3FFB];
	_ =	sdelay $0x3  }
0xa: {  	_ =	strace s19  }
0xb: {  	s3 =	sld [smem:$0x3FFC];
	_ =	sdelay $0x3  }
0xc: {  	_ =	strace s3  }
0xd: {  	s3 =	sld [smem:$0x3FFD];
	_ =	sdelay $0x3  }
0xe: {  	_ =	strace s3  }
0xf: {  	_ =	strace $0x8FFFFFFF  }
0x10: {  	s20 =	sld [smem:$0x3FDB];
	_ =	sdelay $0x1  }
0x11: {  	s4 =	simm.s32 $_scs_section_size  }
0x12: {  	s5 =	simm.s32 $_size__tile_overlayer_lowered;
	s6 =	simm.s32 $_tile_overlayer_lowered  }
0x13: {  	s23 =	simm.s32 $0x1BFF;
	s22 =	sshll.u32 s6, $0x1;
	s3 =	sadd.s32 s4, s20  }
0x14: {  	s7 =	simm.s32 $0x0;
	s21 =	sshll.u32 s5, $0x1;
	s5 =	sadd.s32 s22, s3  }
0x15: {  	[timem:s7], [sflag:s23] =	dma.local [hbm:s5], s21  }
0x16: {  	_ =	swait.ge [sflag:s23], s21  }
0x17: {  	s4 =	ssub.s32 $0x0, s21;
	[sflag:s23] =	ssyncset.done $0x0  }
0x18: {  	[sflag:s23] =	ssyncadd.s32 s4;
	_ =	sdelay $0x1  }
0x19: {  	s24 =	simm.s32 $0x1B8B  }
0x1a: {  	_ =	swait.ge [sflag:s24], $0x1  }
0x1b: {  	[sflag:s24] =	ssyncset.done $0x0  }
0x1c: {  	s26 =	simm.s32 $0x1B8E;
	s25 =	sld [smem:$0x3FFE];
	[sflag:s24] =	ssyncadd.s32 $0xFFFFFFFF  }
0x1d: {  	s27 =	simm.s32 $execute0_lowered;
	[smem:$0x3FD2] =	sst s26  }
0x1e: {  	s5 =	sshll.u32 s27, $0x1;
	_ =	strace $0x8000004C;
	[dreg:$0x1] =	wrdreg $0xFFFFFFFF  }
0x1f: {  	s28 =	simm.s32 $_size_execute0_lowered;
	s3 =	sadd.s32 s3, s5;
	[dreg:$0x0] =	wrdreg $0x0  }
0x20: {  	s5 =	sshll.u32 s28, $0x1;
	[dreg:$0x2] =	wrdreg s3  }
0x21: {  	[dreg:$0x3] =	wrdreg s5  }
0x22: {  	[dreg:$0x4] =	wrdreg $0xC0  }
0x23: {  	_ =	task [dreg:s7], $0x5FFFF  }
0x24: {  	[dreg:$0x1] =	wrdreg $0xFFFFFFFF  }
0x25: {  	[dreg:$0x0] =	wrdreg $0x60  }
0x26: {  	[dreg:$0x2] =	wrdreg s25  }
0x27: {  	[dreg:$0x3] =	wrdreg s2  }
0x28: {  	[dreg:$0x4] =	wrdreg $0x9  }
0x29: {  	_ =	task.clear_ibuf [dreg:s7], $0x5FFFF;
	_ =	strace $0x9000004C  }
0x2a: {  	s29 =	simm.s32 $0x9;
	_ =	strace $0x8000004E  }
0x2b: {  	_ =	swait.ge [sflag:s29], $0x1  }
0x2c: {  	[sflag:s29] =	ssyncadd.s32 $0xFFFFFFFF  }
0x2d: {  	_ =	strace $0x9000004E  }
0x2e: {  	_ =	sfence  }
0x2f: {  	s30 =	sld [smem:$0x0];
	_ =	sdelay $0x2  }
0x30: {  	s31 =	sshll.u32 s1, $0xD;
	s1 =	sshrl.u32 s1, $0x2  }
0x31: {  	s3 =	sand.u32 $0x4000, s31;
	s1 =	sadd.s32 s1, s30  }
0x32: {  	s0 =	sor.u32 s3, s0;
	s1 =	sshll.u32 s1, $0x11  }
0x33: {  	s0 =	sor.u32 s1, s0  }
0x34: {  	s0 =	sadd.s32 $0x8F2B, s0  }
0x35: {  	[sflag:s0] =	ssyncadd.remote.s32 $0x1  }
0x36: {  	_ =	sfence.sel $0xFFFF  }
0x37: {  	[dreg:$0x0] =	wrdreg $0xFFFFFFFF;
	(pc) =	sbr.abs _section_cstart, $3  }
0x38: {  	[dreg:$0x1] =	wrdreg $0xFFFFFFFF  }
0x39: {  	_ =	task.clear_ibuf [dreg:s7], $0x2FFFF;
	_ =	strace $0x9FFFFFFF  }
0x3a: {  	(tm) =	ssettm $0x7FFFFFFF  }
0x3b: {  	_ =	shalt  }
tec
execute0_lowered:
.L_overlay_start_1:
0x0: {  	(tag) =	ssettag $0x1  }
0x1: {  	s0 =	srdreg.scid  }
0x2: {  	s1 =	sshll.u32 s0, $0x4  }
0x3: {  	s0 =	stileid.u32;
	s1 =	sand.u32 $0x10, s1  }
0x4: {  	s1 =	sor.u32 s0, s1  }
0x5: {  	s6 =	rddreg [dreg:$0x0];
	s4 =	simm.s32 $0x1;
	s2 =	sshll.u32 s1, $0x6  }
0x6: {  	s7 =	simm.s32 $0x2;
	s13 =	simm.s32 $0x0;
	s1 =	ssub.s32 $0x1000, s2  }
0x7: {  	s8 =	simm.s32 $0x2000;
	s9 =	simm.s32 $0x80000;
	s3 =	sand.u32 $0x7C0, s1  }
0x8: {  	s14 =	simm.s32 $0x0;
	s5 =	sshrl.u32 s1, $0xB;
	p0 =	sne.s32 s3, $0x0  }
.Ltmp0:
0x9: {  	s1 =	rddreg [dreg:$0x2];
	s4 =	simm.s32 @!p0 $0x0;
	(pc) =	sbr.rel .LBB1_1-.Ltmp0, $4  }
0xa: {  	s10 =	simm.s32 $0x0;
	s3 =	rddreg [dreg:$0x1];
	s5 =	sadd.s32 s4, s5  }
0xb: {  	_ =	strace $0x8000004D;
	s4 =	simm.s32 $0x1;
	s5 =	smul.u32 $0x19, s5  }
0xc: {  	s12 =	simm.s32 $0x0;
	s6 =	sadd.s32 $0x3600, s6;
	[sflag:s4] =	ssyncpa.u1 $0x0  }
0xd: {  	s11 =	smov.u32 s2;
	[sflag:s7] =	ssyncpa.u1 $0x0;
	s7 =	sadd.s32 $0x1, s5  }
.LBB1_7:
0xe: {  	s15 =	sadd.s32 $0x2, s10  }
0xf: {  	s13 =	sadd.s32 $0x800, s11;
	s17 =	smov.u32 s11;
	p1 =	sgt.s32 s15, $0x31  }
0x10: {  	s17 =	smov.u32 @p1 s13  }
0x11: {  	s15 =	simm.s32 @p1 $0x0;
	p1 =	sgt.s32 s17, $0xFFF  }
0x12: {  	s17 =	smov.u32 @p1 s2;
	p1 =	sne.s32 s12, s7  }
.Ltmp1:
0x13: {  	p0 =	slt.u32 s12, $0x2;
	(pc) =	sbr.rel @!p1 .LBB1_8-.Ltmp1, $4  }
0x14: {  	s16 =	simm.s32 @!p0 $0x2  }
0x15: {  	s14 =	smov.u32 s11;
	_ =	swait.ge @!p0 [sflag:s16], $0x4000  }
0x16: {  	s13 =	smov.u32 s10;
	[sflag:s16] =	ssyncset.done @!p0 $0x0;
	s10 =	smov.u32 s15  }
0x17: {  	s12 =	sadd.s32 $0x1, s12;
	[sflag:s16] =	ssyncadd.s32 @!p0 $0xFFFFC000;
	s11 =	smov.u32 s17  }
.LBB1_1:
0x18: {  	p0 =	sge.u32 s12, s5  }
0x19: {  	s15 =	sand.u32 @!p0 $0x1FFFFFF, s10  }
0x1a: {  	s16 =	smulhi.u32 @!p0 $0x4924925, s15;
	_ =	sdelay $0x1  }
0x1b: {  	s16 =	smul.u32 @!p0 $0x38, s16  }
0x1c: {  	s17 =	sxor.u32 @!p0 $0xFFFFFFFF, s12;
	s18 =	smul.u32 @!p0 $0x380, s11  }
0x1d: {  	s31 =	sadd.s32 $0xFFFFFFFF, s12;
	s17 =	sshll.u32 @!p0 s17, $0xE;
	s15 =	ssub.s32 @!p0 s15, s16  }
0x1e: {  	s16 =	sand.u32 @!p0 $0x4000, s17;
	s17 =	sadd.s32 @!p0 s6, s18;
	s15 =	sshll.u32 @!p0 s15, $0x4  }
0x1f: {  	s18 =	simm.s32 @!p0 $0x1C00;
	s15 =	sadd.s32 @!p0 s15, s17;
	s17 =	simm.s32 @!p0 $0x100  }
0x20: {  	[tilespmem:s16], [sflag:$0x1] =	stream.strided.gather @!p0 [hbm4b:s15+s17], $0x4000, s18, s17, $0x38;
	[tilespmem:$0x10000] =	vst v63  }
0x21: {  	p0 =	sge.u32 s31, s5  }
.Ltmp2:
0x22: {  	_ = 	snop;
	(pc) =	sbr.rel @p0 .LBB1_7-.Ltmp2, $1  }
0x23: {  	_ =	sdelay $0x3  }
0x24: {  	_ =	swait.ge [sflag:s4], $0x4000;
	s15 =	sshll.u32 s12, $0xE  }
0x25: {  	[sflag:s4] =	ssyncset.done $0x0;
	s16 =	sand.u32 $0x4000, s15  }
0x26: {  	s17 =	simm.s32 $0x0;
	[sflag:s4] =	ssyncadd.s32 $0xFFFFC000;
	s15 =	sor.u32 $0x8000, s16  }
.LBB1_3:
0x27: {  	s18 =	sshll.u32 s17, $0x8  }
0x28: {  	s18 =	sand.u32 $0x3FFFFF00, s18  }
0x29: {  	s19 =	sshll.u32 s17, $0x7;
	s18 =	sadd.s32 s18, s16  }
0x2a: {  	s19 =	sand.u32 $0x3FFFFF80, s19;
	v0 =	vmov s18  }
0x2b: {  	s19 =	sadd.s32 s19, s15  }
0x2c: {  	p0 =	por $0x1, $0x1;
	v1 =	vmov s19;
	s18 =	simm.s32 $0x0  }
.LBB1_4:
0x2d: {  	s19 =	sshll.u32 s18, $0x7  }
0x2e: {  	s19 =	sand.u32 $0x3FFFFF80, s19  }
0x2f: {  	v2 =	vld.idx.msk [tilespmem:v0+s19+$0x0 ss:$0x1], $0xffff  }
0x30: {  	v3 =	vld.idx.msk [tilespmem:v0+s19+$0x10 ss:$0x1], $0xffff  }
0x31: {  	v4 =	vld.idx.msk [tilespmem:v0+s19+$0x20 ss:$0x1], $0xffff  }
0x32: {  	s31 =	sshll.u32 s18, $0xD;
	v5 =	vld.idx.msk [tilespmem:v0+s19+$0x30 ss:$0x1], $0xffff  }
0x33: {  	s18 =	sand.u32 $0x3FFFE000, s31;
	v6 =	vld.idx.msk [tilespmem:v0+s19+$0x40 ss:$0x1], $0xffff  }
0x34: {  	v63 =	vld.idx.msk [tilespmem:v0+s19+$0x70 ss:$0x1], $0xffff;
	[tilespmem:v1+s18+$0x0 ss:$0x1] =	vst.idx.msk $0xffff, v2  }
0x35: {  	v2 =	vld.idx.msk [tilespmem:v0+s19+$0x50 ss:$0x1], $0xffff;
	[tilespmem:v1+s18+$0x10 ss:$0x1] =	vst.idx.msk $0xffff, v3  }
0x36: {  	p1 =	por p0, p0;
	v3 =	vld.idx.msk [tilespmem:v0+s19+$0x60 ss:$0x1], $0xffff;
	[tilespmem:v1+s18+$0x20 ss:$0x1] =	vst.idx.msk $0xffff, v4  }
.Ltmp3:
0x37: {  	[tilespmem:v1+s18+$0x30 ss:$0x1] =	vst.idx.msk $0xffff, v5;
	(pc) =	sbr.rel @p1 .LBB1_4-.Ltmp3, $4  }
0x38: {  	[tilespmem:v1+s18+$0x40 ss:$0x1] =	vst.idx.msk $0xffff, v6  }
0x39: {  	[tilespmem:v1+s18+$0x70 ss:$0x1] =	vst.idx.msk $0xffff, v63  }
0x3a: {  	[tilespmem:v1+s18+$0x50 ss:$0x1] =	vst.idx.msk $0xffff, v2  }
0x3b: {  	p0 =	por $0x0, $0x0;
	[tilespmem:v1+s18+$0x60 ss:$0x1] =	vst.idx.msk $0xffff, v3;
	s18 =	simm.s32 $0x1  }
0x3c: {  	s17 =	sadd.s32 $0x1, s17  }
0x3d: {  	p0 =	sne.s32 s17, $0x40  }
.Ltmp4:
0x3e: {  	_ = 	snop;
	(pc) =	sbr.rel @p0 .LBB1_3-.Ltmp4, $1  }
0x3f: {  	_ =	sdelay $0x3  }
.Ltmp5:
0x40: {  	s14 =	sshll.u32 s14, $0x4;
	(pc) =	sbr.rel .LBB1_7-.Ltmp5, $4  }
0x41: {  	s14 =	sand.u32 $0xFFF0, s14  }
0x42: {  	s13 =	sshll.u32 s13, $0x10;
	s14 =	sadd.s32 s3, s14  }
0x43: {  	s13 =	sadd.s32 s13, s14  }
0x44: {  	[hbm4b:s13+s8] =	stream.strided.scatter [tilespmem:s15], [sflag:$0x2], $0x4000, s9, s8, $0x38;
	[tilespmem:$0x10000] =	vst v63  }
.LBB1_8:
0x45: {  	_ =	sfence.sel $0x180000  }
0x46: {  	s2 =	simm.s32 $0x1;
	[bflag:$0x0] =	sbarrier.arrive $0xFFFF  }
0x47: {  	s31 =	simm.s32 $0x2;
	[sflag:s2] =	ssyncpa.u1 $0x1  }
0x48: {  	[sflag:s31] =	ssyncpa.u1 $0x1  }
0x49: {  	p0 =	sne.s32 s0, $0x0;
	_ =	strace $0x9000004D  }
0x4a: {  	s0 =	sadd.s32 @!p0 $0x100000, s1;
	[bflag:$0x2] =	sbarrier.arrive $0xFFFF  }
0x4b: {  	[sflag:s0] =	ssyncadd.tile.s32 @!p0 $0x1;
	_ =	shalt  }
.Lfunc_end1:
_tile_overlayer_lowered:
.L_overlay_start_2:
0x4c: {  	(tag) =	ssettag $0x2  }
0x4d: {  	s0 =	rddreg [dreg:$0x0];
	s2 =	stileid.u32  }
0x4e: {  	s1 =	rddreg [dreg:$0x1];
	p0 =	sne.s32 s2, $0x0  }
0x4f: {  	s3 =	rddreg [dreg:$0x2];
	[bflag:$0x3] =	sbarrier.arrive $0xFFFF;
	s2 =	simm.s32 @!p0 $0x1C01  }
0x50: {  	[timem:s3], [sflag:s2] =	dma.local @!p0 [hbm:s0], s1  }
0x51: {  	s0 =	simm.s32 @!p0 $0x1  }
0x52: {  	_ =	swait.ge @!p0 [sflag:s0], s1  }
0x53: {  	s1 =	ssub.s32 @!p0 $0x0, s1;
	[sflag:s0] =	ssyncset.done @!p0 $0x0  }
0x54: {  	[sflag:s0] =	ssyncadd.s32 @!p0 s1  }
0x55: {  	[bflag:$0x3] =	sbarrier.arrive $0xFFFF  }
0x56: {  	_ =	shalt  }

</sc_bundles>
